<compile_context>
chip_gen: v7x
topology: tpu7x:2x2x1
jax: 0.10.2.dev20260603
libtpu: 0.0.44.dev20260713+nightly
codegen_flags: <defaults>
</compile_context>

<pallas_src>
import jax
import jax.numpy as jnp
from jax import lax
from jax.experimental import pallas as pl
from jax.experimental.pallas import tpu as pltpu
from jax.experimental.pallas import tpu_sc as plsc

B, T, ENC, HID = 16, 64, 1024, 1024
L = 16
NG = T // L

_LN2 = 0.6931471805599453
_SQRT2 = 1.4142135623730951


def _bk_kernel(x_ref, wx_ref, out_ref):
    x = x_ref[...]
    wx = wx_ref[...]
    out_ref[...] = jnp.sum(x * wx[None, :, :], axis=-1)


def _log_f32(x):
    bits = plsc.bitcast(x, jnp.int32)
    e_raw = (bits >> 23) - 127
    man = plsc.bitcast((bits & 0x007FFFFF) | 0x3F800000, jnp.float32)
    adj = man > _SQRT2
    man = jnp.where(adj, man * 0.5, man)
    e_f = (e_raw + jnp.where(adj, 1, 0)).astype(jnp.float32)
    t = (man - 1.0) / (man + 1.0)
    t2 = t * t
    ln_man = t * (2.0 + t2 * (0.66666667 + t2 * (0.4 + t2 * 0.28571429)))
    return e_f * _LN2 + ln_man


def _sc_body(bk_hbm, mask_hbm, out_hbm,
             bv, mv, stage, out_v, redmat, shared):
    cid = lax.axis_index("c")
    sid = lax.axis_index("s")

    @pl.when(cid == 0)
    def _per_batch():
        b = sid
        pltpu.sync_copy(bk_hbm.at[b], bv)
        pltpu.sync_copy(mask_hbm.at[b], mv)

        lane = lax.iota(jnp.int32, L)
        row_idx = [lane + L * g for g in range(NG)]
        bk = [bv[pl.ds(L * g, L)] for g in range(NG)]

        length = jnp.zeros((), jnp.int32)
        for g in range(NG):
            length = length + jnp.sum(mv[pl.ds(L * g, L)])

        m = jnp.float32(-jnp.inf)
        for g in range(NG):
            m = jnp.maximum(m, jnp.max(bk[g]))

        e = [jnp.where(row_idx[g] < length, jnp.exp(bk[g] - m), 0.0)
             for g in range(NG)]

        suf = [None] * NG
        carry = jnp.float32(0.0)
        for g in range(NG - 1, -1, -1):
            rc = lax.rev(plsc.cumsum(lax.rev(e[g], (0,))), (0,))
            suf[g] = rc + carry
            carry = carry + jnp.sum(e[g])

        loss_vec = jnp.zeros((L,), jnp.float32)
        for g in range(NG):
            s_ok = (row_idx[g] >= 3) & (row_idx[g] < length)
            term = m + _log_f32(suf[g]) - bk[g]
            loss_vec = loss_vec + jnp.where(s_ok, term, 0.0)

        count = jnp.maximum(length - 3, 0).astype(jnp.float32)

        stage[pl.ds(0, L)] = loss_vec
        stage[pl.ds(L, L)] = jnp.broadcast_to(count * (1.0 / L), (L,))
        pltpu.sync_copy(stage, shared.at[b])

    plsc.subcore_barrier()

    @pl.when((cid == 0) & (sid == 0))
    def _reduce():
        pltpu.sync_copy(shared, redmat)
        acc_l = jnp.zeros((L,), jnp.float32)
        acc_c = jnp.zeros((L,), jnp.float32)
        for b in range(B):
            acc_l = acc_l + redmat[b, pl.ds(0, L)]
            acc_c = acc_c + redmat[b, pl.ds(L, L)]
        num = jnp.broadcast_to(jnp.sum(acc_l), (L,))
        den = jnp.broadcast_to(jnp.sum(acc_c), (L,))
        out_v[...] = num / den
        pltpu.sync_copy(out_v, out_hbm)


@jax.jit
def _hybrid_loss(x, mask, wx2d):
    bk = pl.pallas_call(
        _bk_kernel,
        out_shape=jax.ShapeDtypeStruct((B, T), jnp.float32),
    )(x, wx2d)
    mesh = plsc.VectorSubcoreMesh(core_axis_name="c", subcore_axis_name="s",
                                  num_cores=2, num_subcores=16)
    run = pl.kernel(
        _sc_body,
        out_type=jax.ShapeDtypeStruct((L,), jnp.float32),
        mesh=mesh,
        compiler_params=pltpu.CompilerParams(use_tc_tiling_on_sc=False,
                                             needs_layout_passes=False),
        scratch_types=[
            pltpu.VMEM((T,), jnp.float32),
            pltpu.VMEM((T,), jnp.int32),
            pltpu.VMEM((2 * L,), jnp.float32),
            pltpu.VMEM((L,), jnp.float32),
            pltpu.VMEM((B, 2 * L), jnp.float32),
            pltpu.VMEM_SHARED((B, 2 * L), jnp.float32),
        ],
    )
    return run(bk, mask)


def kernel(encoder_output, mask, W_ih, W_hh, b_ih, b_hh, W_fc, b_fc):
    del W_ih, W_hh, b_ih, b_hh, b_fc
    wx2d = W_fc[:, HID:]
    out = _hybrid_loss(encoder_output, mask, wx2d)
    return out[0]

# --- scband reference (transcript-rebuilt; emitter-appended) ---
"""Pipeline reference for scband-dli-loss-3-6614249636367 (READ-ONLY COPY).

The authoritative reference and input builder live on the scoring server;
editing this copy changes nothing except your own understanding.
"""

import jax, jax.numpy as jnp
import numpy as np

B, T, ENC, HID = 16, 64, 1024, 1024

def setup_inputs(seed: int = 0):
    key = jax.random.key(seed)
    ks = jax.random.split(key, 8)
    s = 1.0 / np.sqrt(HID)
    sf = 1.0 / np.sqrt(HID + ENC)
    return {
        "encoder_output": jax.random.normal(ks[0], (B, T, ENC), dtype=jnp.float32),
        "mask": jnp.ones((B, T), dtype=jnp.int32),
        "W_ih": jax.random.uniform(ks[1], (4 * HID, ENC), jnp.float32, -s, s),
        "W_hh": jax.random.uniform(ks[2], (4 * HID, HID), jnp.float32, -s, s),
        "b_ih": jax.random.uniform(ks[3], (4 * HID,), jnp.float32, -s, s),
        "b_hh": jax.random.uniform(ks[4], (4 * HID,), jnp.float32, -s, s),
        "W_fc": jax.random.uniform(ks[5], (1, HID + ENC), jnp.float32, -sf, sf),
        "b_fc": jax.random.uniform(ks[6], (1,), jnp.float32, -sf, sf),
    }

def _forward(encoder_output, W_ih, W_hh, b_ih, b_hh, W_fc, b_fc, mask):
    Bsz, Tlen, E = encoder_output.shape
    H = W_hh.shape[1]
    lengths = jnp.sum(mask, axis=1)
    kpos = jnp.arange(Tlen)
    # his_turn_states: copy valid prefix, zeros elsewhere
    x = encoder_output * (kpos[None, :] < lengths[:, None]).astype(encoder_output.dtype)[:, :, None]
    J = Tlen - 3  # candidate source windows j in [0, T-4]
    widx = jnp.arange(J)[:, None] + jnp.arange(3)[None, :]
    src = x[:, widx, :].reshape(Bsz * J, 3, E)
    # single-layer LSTM over the length-3 source windows (PyTorch gate order i,f,g,o)
    def step(carry, xt):
        h, c = carry
        gates = xt @ W_ih.T + h @ W_hh.T + b_ih + b_hh
        i, f, g, o = jnp.split(gates, 4, axis=-1)
        i = jax.nn.sigmoid(i); f = jax.nn.sigmoid(f)
        g = jnp.tanh(g); o = jax.nn.sigmoid(o)
        c = f * c + i * g
        h = o * jnp.tanh(c)
        return (h, c), None
    h0 = jnp.zeros((Bsz * J, H), dtype=x.dtype)
    c0 = jnp.zeros((Bsz * J, H), dtype=x.dtype)
    (h, _), _ = jax.lax.scan(step, (h0, c0), jnp.swapaxes(src, 0, 1))
    h = h.reshape(Bsz, J, H)
    # con_fc(concat(h_ij, x_ik)) decomposed: logit[i,j,k] = h_ij@Wh + x_ik@Wx + b
    Wh = W_fc[0, :H]; Wx = W_fc[0, H:]
    A = h @ Wh + b_fc[0]            # [B, J]
    Bk = x @ Wx                     # [B, T]
    logits = A[:, :, None] + Bk[:, None, :]  # [B, J, T]
    jpos = jnp.arange(J)
    valid_k = (kpos[None, None, :] >= (jpos[None, :, None] + 3)) & (kpos[None, None, :] < lengths[:, None, None])
    masked = jnp.where(valid_k, logits, -jnp.inf)
    lse = jax.nn.logsumexp(masked, axis=-1)    # [B, J]
    tgt = logits[:, jpos, jpos + 3]            # class 0 logit (k = j+3)
    loss_ij = lse - tgt                        # CE with target 0 per pair
    valid_j = (jpos[None, :] <= (lengths[:, None] - 4))
    total = jnp.sum(jnp.where(valid_j, loss_ij, 0.0))
    count = jnp.sum(valid_j).astype(total.dtype)
    return total / count

def reference(encoder_output, mask, W_ih, W_hh, b_ih, b_hh, W_fc, b_fc):
    return _forward(encoder_output, W_ih, W_hh, b_ih, b_hh, W_fc, b_fc, mask)

if __name__ == "__main__":
    import jax
    _d = setup_inputs()
    print(jax.jit(kernel)(*tuple(_d.values())))

</pallas_src>

<mosaic_0001>
#map = affine_map<(d0, d1) -> (0, 0)>
#map1 = affine_map<(d0, d1) -> (0)>
module attributes {stable_mosaic.version = 14 : i64} {
  func.func @_sc_body(%arg0: i32, %arg1: i32, %arg2: memref<16x64xf32, #tpu.memory_space<hbm>>, %arg3: memref<16x64xi32, #tpu.memory_space<hbm>>, %arg4: memref<16xf32, #tpu.memory_space<hbm>>, %arg5: memref<64xf32, #tpu.memory_space<vmem>>, %arg6: memref<64xi32, #tpu.memory_space<vmem>>, %arg7: memref<32xf32, #tpu.memory_space<vmem>>, %arg8: memref<16xf32, #tpu.memory_space<vmem>>, %arg9: memref<16x32xf32, #tpu.memory_space<vmem>>, %arg10: memref<16x32xf32, #tpu.memory_space<vmem_shared>>) attributes {dimension_semantics = [#tpu.dimension_semantics<core_parallel>, #tpu.dimension_semantics<subcore_parallel>], iteration_bounds = array<i64: 2, 16>, scalar_prefetch = 0 : i64, scratch_operands = 6 : i64, tpu.core_type = #tpu.core_type<sc_vector_subcore>, window_params = [{transform_indices = #map}, {transform_indices = #map}, {transform_indices = #map1}]} {
    %eq3A = arith.constant 0 : i32
    %eq3A_0 = arith.cmpi eq, %arg0, %eq3A : i32
    %convert_element_type3A = arith.extui %eq3A_0 : i1 to i32
    %cond3A = arith.constant 0 : i32
    %cond3A_1 = arith.cmpi ne, %convert_element_type3A, %cond3A : i32
    scf.if %cond3A_1 {
      "tpu.region"() ({
        %run_scoped3A = tpu.sem_alloc : memref<!tpu.dma_semaphore, #tpu.memory_space<semaphore_mem>>
        %dma_start3A = arith.constant 0 : i32
        %dma_start3A_458 = tpu.memref_slice %arg2[%arg1, %dma_start3A] : memref<16x64xf32, #tpu.memory_space<hbm>> -> memref<1x64xf32, #tpu.memory_space<hbm>>
        %dma_start3A_459 = tpu.memref_squeeze %dma_start3A_458 : memref<1x64xf32, #tpu.memory_space<hbm>> -> memref<64xf32, #tpu.memory_space<hbm>>
        %dma_start3A_460 = arith.constant 0 : i32
        %dma_start3A_461 = tpu.memref_slice %arg2[%arg1, %dma_start3A_460] : memref<16x64xf32, #tpu.memory_space<hbm>> -> memref<1x64xf32, #tpu.memory_space<hbm>>
        %dma_start3A_462 = tpu.memref_squeeze %dma_start3A_461 : memref<1x64xf32, #tpu.memory_space<hbm>> -> memref<64xf32, #tpu.memory_space<hbm>>
        tpu.enqueue_dma source(%dma_start3A_462 : memref<64xf32, #tpu.memory_space<hbm>>) target(%arg5 : memref<64xf32, #tpu.memory_space<vmem>>) target_semaphore(%run_scoped3A : memref<!tpu.dma_semaphore, #tpu.memory_space<semaphore_mem>>)
        %dma_wait3A = arith.constant 0 : i32
        %dma_wait3A_463 = tpu.memref_slice %arg2[%arg1, %dma_wait3A] : memref<16x64xf32, #tpu.memory_space<hbm>> -> memref<1x64xf32, #tpu.memory_space<hbm>>
        %dma_wait3A_464 = tpu.memref_squeeze %dma_wait3A_463 : memref<1x64xf32, #tpu.memory_space<hbm>> -> memref<64xf32, #tpu.memory_space<hbm>>
        %dma_wait3A_465 = arith.constant 0 : i32
        %dma_wait3A_466 = tpu.memref_slice %arg2[%arg1, %dma_wait3A_465] : memref<16x64xf32, #tpu.memory_space<hbm>> -> memref<1x64xf32, #tpu.memory_space<hbm>>
        %dma_wait3A_467 = tpu.memref_squeeze %dma_wait3A_466 : memref<1x64xf32, #tpu.memory_space<hbm>> -> memref<64xf32, #tpu.memory_space<hbm>>
        tpu.wait_dma2 semaphore(%run_scoped3A : memref<!tpu.dma_semaphore, #tpu.memory_space<semaphore_mem>>) src(%dma_wait3A_467 : memref<64xf32, #tpu.memory_space<hbm>>) dst(%arg5 : memref<64xf32, #tpu.memory_space<vmem>>)
        tpu.yield
      }) : () -> ()
      "tpu.region"() ({
        %run_scoped3A = tpu.sem_alloc : memref<!tpu.dma_semaphore, #tpu.memory_space<semaphore_mem>>
        %dma_start3A = arith.constant 0 : i32
        %dma_start3A_458 = tpu.memref_slice %arg3[%arg1, %dma_start3A] : memref<16x64xi32, #tpu.memory_space<hbm>> -> memref<1x64xi32, #tpu.memory_space<hbm>>
        %dma_start3A_459 = tpu.memref_squeeze %dma_start3A_458 : memref<1x64xi32, #tpu.memory_space<hbm>> -> memref<64xi32, #tpu.memory_space<hbm>>
        %dma_start3A_460 = arith.constant 0 : i32
        %dma_start3A_461 = tpu.memref_slice %arg3[%arg1, %dma_start3A_460] : memref<16x64xi32, #tpu.memory_space<hbm>> -> memref<1x64xi32, #tpu.memory_space<hbm>>
        %dma_start3A_462 = tpu.memref_squeeze %dma_start3A_461 : memref<1x64xi32, #tpu.memory_space<hbm>> -> memref<64xi32, #tpu.memory_space<hbm>>
        tpu.enqueue_dma source(%dma_start3A_462 : memref<64xi32, #tpu.memory_space<hbm>>) target(%arg6 : memref<64xi32, #tpu.memory_space<vmem>>) target_semaphore(%run_scoped3A : memref<!tpu.dma_semaphore, #tpu.memory_space<semaphore_mem>>)
        %dma_wait3A = arith.constant 0 : i32
        %dma_wait3A_463 = tpu.memref_slice %arg3[%arg1, %dma_wait3A] : memref<16x64xi32, #tpu.memory_space<hbm>> -> memref<1x64xi32, #tpu.memory_space<hbm>>
        %dma_wait3A_464 = tpu.memref_squeeze %dma_wait3A_463 : memref<1x64xi32, #tpu.memory_space<hbm>> -> memref<64xi32, #tpu.memory_space<hbm>>
        %dma_wait3A_465 = arith.constant 0 : i32
        %dma_wait3A_466 = tpu.memref_slice %arg3[%arg1, %dma_wait3A_465] : memref<16x64xi32, #tpu.memory_space<hbm>> -> memref<1x64xi32, #tpu.memory_space<hbm>>
        %dma_wait3A_467 = tpu.memref_squeeze %dma_wait3A_466 : memref<1x64xi32, #tpu.memory_space<hbm>> -> memref<64xi32, #tpu.memory_space<hbm>>
        tpu.wait_dma2 semaphore(%run_scoped3A : memref<!tpu.dma_semaphore, #tpu.memory_space<semaphore_mem>>) src(%dma_wait3A_467 : memref<64xi32, #tpu.memory_space<hbm>>) dst(%arg6 : memref<64xi32, #tpu.memory_space<vmem>>)
        tpu.yield
      }) : () -> ()
      %iota3A = tpu.iota {dimensions = array<i32: 0>} : vector<16xi32>
      %add3A = arith.constant 0 : i32
      %add3A_9 = vector.broadcast %add3A : i32 to vector<16xi32>
      %add3A_10 = arith.addi %iota3A, %add3A_9 : vector<16xi32>
      %add3A_11 = arith.constant 16 : i32
      %add3A_12 = vector.broadcast %add3A_11 : i32 to vector<16xi32>
      %add3A_13 = arith.addi %iota3A, %add3A_12 : vector<16xi32>
      %add3A_14 = arith.constant 32 : i32
      %add3A_15 = vector.broadcast %add3A_14 : i32 to vector<16xi32>
      %add3A_16 = arith.addi %iota3A, %add3A_15 : vector<16xi32>
      %add3A_17 = arith.constant 48 : i32
      %add3A_18 = vector.broadcast %add3A_17 : i32 to vector<16xi32>
      %add3A_19 = arith.addi %iota3A, %add3A_18 : vector<16xi32>
      %get3A = arith.constant 0 : index
      %get3A_20 = tpu.vector_load %arg5[%get3A] {strides = array<i32>} : memref<64xf32, #tpu.memory_space<vmem>>, vector<16xf32>,
      %get3A_21 = arith.constant 16 : index
      %get3A_22 = tpu.vector_load %arg5[%get3A_21] {strides = array<i32>} : memref<64xf32, #tpu.memory_space<vmem>>, vector<16xf32>,
      %get3A_23 = arith.constant 32 : index
      %get3A_24 = tpu.vector_load %arg5[%get3A_23] {strides = array<i32>} : memref<64xf32, #tpu.memory_space<vmem>>, vector<16xf32>,
      %get3A_25 = arith.constant 48 : index
      %get3A_26 = tpu.vector_load %arg5[%get3A_25] {strides = array<i32>} : memref<64xf32, #tpu.memory_space<vmem>>, vector<16xf32>,
      %get3A_27 = arith.constant 0 : index
      %get3A_28 = tpu.vector_load %arg6[%get3A_27] {strides = array<i32>} : memref<64xi32, #tpu.memory_space<vmem>>, vector<16xi32>,
      %reduce_sum3A = arith.constant true
      %reduce_sum3A_29 = vector.broadcast %reduce_sum3A : i1 to vector<16xi1>
      %reduce_sum3A_30 = tpu.scan <sum>, %get3A_28 masked %reduce_sum3A_29 : vector<16xi32>, vector<16xi1> -> vector<16xi32>
      %reduce_sum3A_31 = vector.extract %reduce_sum3A_30[15] : i32 from vector<16xi32>
      %add3A_32 = arith.constant 0 : i32
      %add3A_33 = arith.addi %add3A_32, %reduce_sum3A_31 : i32
      %get3A_34 = arith.constant 16 : index
      %get3A_35 = tpu.vector_load %arg6[%get3A_34] {strides = array<i32>} : memref<64xi32, #tpu.memory_space<vmem>>, vector<16xi32>,
      %reduce_sum3A_36 = arith.constant true
      %reduce_sum3A_37 = vector.broadcast %reduce_sum3A_36 : i1 to vector<16xi1>
      %reduce_sum3A_38 = tpu.scan <sum>, %get3A_35 masked %reduce_sum3A_37 : vector<16xi32>, vector<16xi1> -> vector<16xi32>
      %reduce_sum3A_39 = vector.extract %reduce_sum3A_38[15] : i32 from vector<16xi32>
      %add3A_40 = arith.addi %add3A_33, %reduce_sum3A_39 : i32
      %get3A_41 = arith.constant 32 : index
      %get3A_42 = tpu.vector_load %arg6[%get3A_41] {strides = array<i32>} : memref<64xi32, #tpu.memory_space<vmem>>, vector<16xi32>,
      %reduce_sum3A_43 = arith.constant true
      %reduce_sum3A_44 = vector.broadcast %reduce_sum3A_43 : i1 to vector<16xi1>
      %reduce_sum3A_45 = tpu.scan <sum>, %get3A_42 masked %reduce_sum3A_44 : vector<16xi32>, vector<16xi1> -> vector<16xi32>
      %reduce_sum3A_46 = vector.extract %reduce_sum3A_45[15] : i32 from vector<16xi32>
      %add3A_47 = arith.addi %add3A_40, %reduce_sum3A_46 : i32
      %get3A_48 = arith.constant 48 : index
      %get3A_49 = tpu.vector_load %arg6[%get3A_48] {strides = array<i32>} : memref<64xi32, #tpu.memory_space<vmem>>, vector<16xi32>,
      %reduce_sum3A_50 = arith.constant true
      %reduce_sum3A_51 = vector.broadcast %reduce_sum3A_50 : i1 to vector<16xi1>
      %reduce_sum3A_52 = tpu.scan <sum>, %get3A_49 masked %reduce_sum3A_51 : vector<16xi32>, vector<16xi1> -> vector<16xi32>
      %reduce_sum3A_53 = vector.extract %reduce_sum3A_52[15] : i32 from vector<16xi32>
      %add3A_54 = arith.addi %add3A_47, %reduce_sum3A_53 : i32
      %reduce_max3A = arith.constant true
      %reduce_max3A_55 = vector.broadcast %reduce_max3A : i1 to vector<16xi1>
      %reduce_max3A_56 = tpu.scan <max>, %get3A_20 masked %reduce_max3A_55 : vector<16xf32>, vector<16xi1> -> vector<16xf32>
      %reduce_max3A_57 = vector.extract %reduce_max3A_56[15] : f32 from vector<16xf32>
      %max3A = arith.constant 0xFF800000 : f32
      %max3A_58 = arith.maximumf %max3A, %reduce_max3A_57 : f32
      %reduce_max3A_59 = arith.constant true
      %reduce_max3A_60 = vector.broadcast %reduce_max3A_59 : i1 to vector<16xi1>
      %reduce_max3A_61 = tpu.scan <max>, %get3A_22 masked %reduce_max3A_60 : vector<16xf32>, vector<16xi1> -> vector<16xf32>
      %reduce_max3A_62 = vector.extract %reduce_max3A_61[15] : f32 from vector<16xf32>
      %max3A_63 = arith.maximumf %max3A_58, %reduce_max3A_62 : f32
      %reduce_max3A_64 = arith.constant true
      %reduce_max3A_65 = vector.broadcast %reduce_max3A_64 : i1 to vector<16xi1>
      %reduce_max3A_66 = tpu.scan <max>, %get3A_24 masked %reduce_max3A_65 : vector<16xf32>, vector<16xi1> -> vector<16xf32>
      %reduce_max3A_67 = vector.extract %reduce_max3A_66[15] : f32 from vector<16xf32>
      %max3A_68 = arith.maximumf %max3A_63, %reduce_max3A_67 : f32
      %reduce_max3A_69 = arith.constant true
      %reduce_max3A_70 = vector.broadcast %reduce_max3A_69 : i1 to vector<16xi1>
      %reduce_max3A_71 = tpu.scan <max>, %get3A_26 masked %reduce_max3A_70 : vector<16xf32>, vector<16xi1> -> vector<16xf32>
      %reduce_max3A_72 = vector.extract %reduce_max3A_71[15] : f32 from vector<16xf32>
      %max3A_73 = arith.maximumf %max3A_68, %reduce_max3A_72 : f32
      %lt3A = vector.broadcast %add3A_54 : i32 to vector<16xi32>
      %lt3A_74 = arith.cmpi slt, %add3A_10, %lt3A : vector<16xi32>
      %sub3A = vector.broadcast %max3A_73 : f32 to vector<16xf32>
      %sub3A_75 = arith.subf %get3A_20, %sub3A : vector<16xf32>
      %exp3A = math.exp %sub3A_75 : vector<16xf32>
      %jit3A = arith.constant 0.000000e+00 : f32
      %broadcast_in_dim3A = vector.broadcast %jit3A : f32 to vector<16xf32>
      %select_n3A = arith.select %lt3A_74, %exp3A, %broadcast_in_dim3A : vector<16xi1>, vector<16xf32>
      %lt3A_76 = vector.broadcast %add3A_54 : i32 to vector<16xi32>
      %lt3A_77 = arith.cmpi slt, %add3A_13, %lt3A_76 : vector<16xi32>
      %sub3A_78 = vector.broadcast %max3A_73 : f32 to vector<16xf32>
      %sub3A_79 = arith.subf %get3A_22, %sub3A_78 : vector<16xf32>
      %exp3A_80 = math.exp %sub3A_79 : vector<16xf32>
      %jit3A_81 = arith.constant 0.000000e+00 : f32
      %broadcast_in_dim3A_82 = vector.broadcast %jit3A_81 : f32 to vector<16xf32>
      %select_n3A_83 = arith.select %lt3A_77, %exp3A_80, %broadcast_in_dim3A_82 : vector<16xi1>, vector<16xf32>
      %lt3A_84 = vector.broadcast %add3A_54 : i32 to vector<16xi32>
      %lt3A_85 = arith.cmpi slt, %add3A_16, %lt3A_84 : vector<16xi32>
      %sub3A_86 = vector.broadcast %max3A_73 : f32 to vector<16xf32>
      %sub3A_87 = arith.subf %get3A_24, %sub3A_86 : vector<16xf32>
      %exp3A_88 = math.exp %sub3A_87 : vector<16xf32>
      %jit3A_89 = arith.constant 0.000000e+00 : f32
      %broadcast_in_dim3A_90 = vector.broadcast %jit3A_89 : f32 to vector<16xf32>
      %select_n3A_91 = arith.select %lt3A_85, %exp3A_88, %broadcast_in_dim3A_90 : vector<16xi1>, vector<16xf32>
      %lt3A_92 = vector.broadcast %add3A_54 : i32 to vector<16xi32>
      %lt3A_93 = arith.cmpi slt, %add3A_19, %lt3A_92 : vector<16xi32>
      %sub3A_94 = vector.broadcast %max3A_73 : f32 to vector<16xf32>
      %sub3A_95 = arith.subf %get3A_26, %sub3A_94 : vector<16xf32>
      %exp3A_96 = math.exp %sub3A_95 : vector<16xf32>
      %jit3A_97 = arith.constant 0.000000e+00 : f32
      %broadcast_in_dim3A_98 = vector.broadcast %jit3A_97 : f32 to vector<16xf32>
      %select_n3A_99 = arith.select %lt3A_93, %exp3A_96, %broadcast_in_dim3A_98 : vector<16xi1>, vector<16xf32>
      %rev3A = arith.constant 15 : i32
      %rev3A_100 = vector.broadcast %rev3A : i32 to vector<16xi32>
      %rev3A_101 = tpu.iota {dimensions = array<i32: 0>} : vector<16xi32>
      %rev3A_102 = arith.subi %rev3A_100, %rev3A_101 : vector<16xi32>
      %rev3A_103 = tpu.dynamic_gather %select_n3A_99[%rev3A_102] in [0] : vector<16xf32>, vector<16xi32> -> vector<16xf32>
      %broadcast_in_dim3A_104 = arith.constant true
      %broadcast_in_dim3A_105 = vector.broadcast %broadcast_in_dim3A_104 : i1 to vector<16xi1>
      %masked_cumsum3A = tpu.scan <sum>, %rev3A_103 masked %broadcast_in_dim3A_105 : vector<16xf32>, vector<16xi1> -> vector<16xf32>
      %rev3A_106 = arith.constant 15 : i32
      %rev3A_107 = vector.broadcast %rev3A_106 : i32 to vector<16xi32>
      %rev3A_108 = tpu.iota {dimensions = array<i32: 0>} : vector<16xi32>
      %rev3A_109 = arith.subi %rev3A_107, %rev3A_108 : vector<16xi32>
      %rev3A_110 = tpu.dynamic_gather %masked_cumsum3A[%rev3A_109] in [0] : vector<16xf32>, vector<16xi32> -> vector<16xf32>
      %add3A_111 = arith.constant 0.000000e+00 : f32
      %add3A_112 = vector.broadcast %add3A_111 : f32 to vector<16xf32>
      %add3A_113 = arith.addf %rev3A_110, %add3A_112 : vector<16xf32>
      %reduce_sum3A_114 = arith.constant true
      %reduce_sum3A_115 = vector.broadcast %reduce_sum3A_114 : i1 to vector<16xi1>
      %reduce_sum3A_116 = tpu.scan <sum>, %select_n3A_99 masked %reduce_sum3A_115 : vector<16xf32>, vector<16xi1> -> vector<16xf32>
      %reduce_sum3A_117 = vector.extract %reduce_sum3A_116[15] : f32 from vector<16xf32>
      %add3A_118 = arith.constant 0.000000e+00 : f32
      %add3A_119 = arith.addf %add3A_118, %reduce_sum3A_117 : f32
      %rev3A_120 = arith.constant 15 : i32
      %rev3A_121 = vector.broadcast %rev3A_120 : i32 to vector<16xi32>
      %rev3A_122 = tpu.iota {dimensions = array<i32: 0>} : vector<16xi32>
      %rev3A_123 = arith.subi %rev3A_121, %rev3A_122 : vector<16xi32>
      %rev3A_124 = tpu.dynamic_gather %select_n3A_91[%rev3A_123] in [0] : vector<16xf32>, vector<16xi32> -> vector<16xf32>
      %broadcast_in_dim3A_125 = arith.constant true
      %broadcast_in_dim3A_126 = vector.broadcast %broadcast_in_dim3A_125 : i1 to vector<16xi1>
      %masked_cumsum3A_127 = tpu.scan <sum>, %rev3A_124 masked %broadcast_in_dim3A_126 : vector<16xf32>, vector<16xi1> -> vector<16xf32>
      %rev3A_128 = arith.constant 15 : i32
      %rev3A_129 = vector.broadcast %rev3A_128 : i32 to vector<16xi32>
      %rev3A_130 = tpu.iota {dimensions = array<i32: 0>} : vector<16xi32>
      %rev3A_131 = arith.subi %rev3A_129, %rev3A_130 : vector<16xi32>
      %rev3A_132 = tpu.dynamic_gather %masked_cumsum3A_127[%rev3A_131] in [0] : vector<16xf32>, vector<16xi32> -> vector<16xf32>
      %add3A_133 = vector.broadcast %add3A_119 : f32 to vector<16xf32>
      %add3A_134 = arith.addf %rev3A_132, %add3A_133 : vector<16xf32>
      %reduce_sum3A_135 = arith.constant true
      %reduce_sum3A_136 = vector.broadcast %reduce_sum3A_135 : i1 to vector<16xi1>
      %reduce_sum3A_137 = tpu.scan <sum>, %select_n3A_91 masked %reduce_sum3A_136 : vector<16xf32>, vector<16xi1> -> vector<16xf32>
      %reduce_sum3A_138 = vector.extract %reduce_sum3A_137[15] : f32 from vector<16xf32>
      %add3A_139 = arith.addf %add3A_119, %reduce_sum3A_138 : f32
      %rev3A_140 = arith.constant 15 : i32
      %rev3A_141 = vector.broadcast %rev3A_140 : i32 to vector<16xi32>
      %rev3A_142 = tpu.iota {dimensions = array<i32: 0>} : vector<16xi32>
      %rev3A_143 = arith.subi %rev3A_141, %rev3A_142 : vector<16xi32>
      %rev3A_144 = tpu.dynamic_gather %select_n3A_83[%rev3A_143] in [0] : vector<16xf32>, vector<16xi32> -> vector<16xf32>
      %broadcast_in_dim3A_145 = arith.constant true
      %broadcast_in_dim3A_146 = vector.broadcast %broadcast_in_dim3A_145 : i1 to vector<16xi1>
      %masked_cumsum3A_147 = tpu.scan <sum>, %rev3A_144 masked %broadcast_in_dim3A_146 : vector<16xf32>, vector<16xi1> -> vector<16xf32>
      %rev3A_148 = arith.constant 15 : i32
      %rev3A_149 = vector.broadcast %rev3A_148 : i32 to vector<16xi32>
      %rev3A_150 = tpu.iota {dimensions = array<i32: 0>} : vector<16xi32>
      %rev3A_151 = arith.subi %rev3A_149, %rev3A_150 : vector<16xi32>
      %rev3A_152 = tpu.dynamic_gather %masked_cumsum3A_147[%rev3A_151] in [0] : vector<16xf32>, vector<16xi32> -> vector<16xf32>
      %add3A_153 = vector.broadcast %add3A_139 : f32 to vector<16xf32>
      %add3A_154 = arith.addf %rev3A_152, %add3A_153 : vector<16xf32>
      %reduce_sum3A_155 = arith.constant true
      %reduce_sum3A_156 = vector.broadcast %reduce_sum3A_155 : i1 to vector<16xi1>
      %reduce_sum3A_157 = tpu.scan <sum>, %select_n3A_83 masked %reduce_sum3A_156 : vector<16xf32>, vector<16xi1> -> vector<16xf32>
      %reduce_sum3A_158 = vector.extract %reduce_sum3A_157[15] : f32 from vector<16xf32>
      %add3A_159 = arith.addf %add3A_139, %reduce_sum3A_158 : f32
      %rev3A_160 = arith.constant 15 : i32
      %rev3A_161 = vector.broadcast %rev3A_160 : i32 to vector<16xi32>
      %rev3A_162 = tpu.iota {dimensions = array<i32: 0>} : vector<16xi32>
      %rev3A_163 = arith.subi %rev3A_161, %rev3A_162 : vector<16xi32>
      %rev3A_164 = tpu.dynamic_gather %select_n3A[%rev3A_163] in [0] : vector<16xf32>, vector<16xi32> -> vector<16xf32>
      %broadcast_in_dim3A_165 = arith.constant true
      %broadcast_in_dim3A_166 = vector.broadcast %broadcast_in_dim3A_165 : i1 to vector<16xi1>
      %masked_cumsum3A_167 = tpu.scan <sum>, %rev3A_164 masked %broadcast_in_dim3A_166 : vector<16xf32>, vector<16xi1> -> vector<16xf32>
      %rev3A_168 = arith.constant 15 : i32
      %rev3A_169 = vector.broadcast %rev3A_168 : i32 to vector<16xi32>
      %rev3A_170 = tpu.iota {dimensions = array<i32: 0>} : vector<16xi32>
      %rev3A_171 = arith.subi %rev3A_169, %rev3A_170 : vector<16xi32>
      %rev3A_172 = tpu.dynamic_gather %masked_cumsum3A_167[%rev3A_171] in [0] : vector<16xf32>, vector<16xi32> -> vector<16xf32>
      %add3A_173 = vector.broadcast %add3A_159 : f32 to vector<16xf32>
      %add3A_174 = arith.addf %rev3A_172, %add3A_173 : vector<16xf32>
      %reduce_sum3A_175 = arith.constant true
      %reduce_sum3A_176 = vector.broadcast %reduce_sum3A_175 : i1 to vector<16xi1>
      %reduce_sum3A_177 = tpu.scan <sum>, %select_n3A masked %reduce_sum3A_176 : vector<16xf32>, vector<16xi1> -> vector<16xf32>
      %reduce_sum3A_178 = vector.extract %reduce_sum3A_177[15] : f32 from vector<16xf32>
      %add3A_179 = arith.addf %add3A_159, %reduce_sum3A_178 : f32
      %broadcast_in_dim3A_180 = arith.constant 0.000000e+00 : f32
      %broadcast_in_dim3A_181 = vector.broadcast %broadcast_in_dim3A_180 : f32 to vector<16xf32>
      %ge3A = arith.constant 3 : i32
      %ge3A_182 = vector.broadcast %ge3A : i32 to vector<16xi32>
      %ge3A_183 = arith.cmpi sge, %add3A_10, %ge3A_182 : vector<16xi32>
      %lt3A_184 = vector.broadcast %add3A_54 : i32 to vector<16xi32>
      %lt3A_185 = arith.cmpi slt, %add3A_10, %lt3A_184 : vector<16xi32>
      %and3A_186 = arith.andi %ge3A_183, %lt3A_185 : vector<16xi1>
      %bitcast3A = vector.bitcast %add3A_174 : vector<16xf32> to vector<16xi32>
      %shift_right_arithmetic3A = arith.constant 23 : i32
      %shift_right_arithmetic3A_187 = vector.broadcast %shift_right_arithmetic3A : i32 to vector<16xi32>
      %shift_right_arithmetic3A_188 = arith.shrsi %bitcast3A, %shift_right_arithmetic3A_187 : vector<16xi32>
      %sub3A_189 = arith.constant 127 : i32
      %sub3A_190 = vector.broadcast %sub3A_189 : i32 to vector<16xi32>
      %sub3A_191 = arith.subi %shift_right_arithmetic3A_188, %sub3A_190 : vector<16xi32>
      %and3A_192 = arith.constant 8388607 : i32
      %and3A_193 = vector.broadcast %and3A_192 : i32 to vector<16xi32>
      %and3A_194 = arith.andi %bitcast3A, %and3A_193 : vector<16xi32>
      %or3A = arith.constant 1065353216 : i32
      %or3A_195 = vector.broadcast %or3A : i32 to vector<16xi32>
      %or3A_196 = arith.ori %and3A_194, %or3A_195 : vector<16xi32>
      %bitcast3A_197 = vector.bitcast %or3A_196 : vector<16xi32> to vector<16xf32>
      %gt3A = arith.constant 1.41421354 : f32
      %gt3A_198 = vector.broadcast %gt3A : f32 to vector<16xf32>
      %gt3A_199 = arith.cmpf ogt, %bitcast3A_197, %gt3A_198 : vector<16xf32>
      %mul3A = arith.constant 5.000000e-01 : f32
      %mul3A_200 = vector.broadcast %mul3A : f32 to vector<16xf32>
      %mul3A_201 = arith.mulf %bitcast3A_197, %mul3A_200 : vector<16xf32>
      %select_n3A_202 = arith.select %gt3A_199, %mul3A_201, %bitcast3A_197 : vector<16xi1>, vector<16xf32>
      %jit3A_203 = arith.constant 1 : i32
      %jit3A_204 = arith.constant 0 : i32
      %broadcast_in_dim3A_205 = vector.broadcast %jit3A_203 : i32 to vector<16xi32>
      %broadcast_in_dim3A_206 = vector.broadcast %jit3A_204 : i32 to vector<16xi32>
      %select_n3A_207 = arith.select %gt3A_199, %broadcast_in_dim3A_205, %broadcast_in_dim3A_206 : vector<16xi1>, vector<16xi32>
      %add3A_208 = arith.addi %sub3A_191, %select_n3A_207 : vector<16xi32>
      %convert_element_type3A_209 = arith.sitofp %add3A_208 : vector<16xi32> to vector<16xf32>
      %sub3A_210 = arith.constant 1.000000e+00 : f32
      %sub3A_211 = vector.broadcast %sub3A_210 : f32 to vector<16xf32>
      %sub3A_212 = arith.subf %select_n3A_202, %sub3A_211 : vector<16xf32>
      %add3A_213 = arith.constant 1.000000e+00 : f32
      %add3A_214 = vector.broadcast %add3A_213 : f32 to vector<16xf32>
      %add3A_215 = arith.addf %select_n3A_202, %add3A_214 : vector<16xf32>
      %div3A = arith.divf %sub3A_212, %add3A_215 : vector<16xf32>
      %mul3A_216 = arith.mulf %div3A, %div3A : vector<16xf32>
      %mul3A_217 = arith.constant 0.285714298 : f32
      %mul3A_218 = vector.broadcast %mul3A_217 : f32 to vector<16xf32>
      %mul3A_219 = arith.mulf %mul3A_216, %mul3A_218 : vector<16xf32>
      %add3A_220 = arith.constant 4.000000e-01 : f32
      %add3A_221 = vector.broadcast %add3A_220 : f32 to vector<16xf32>
      %add3A_222 = arith.addf %add3A_221, %mul3A_219 : vector<16xf32>
      %mul3A_223 = arith.mulf %mul3A_216, %add3A_222 : vector<16xf32>
      %add3A_224 = arith.constant 0.666666686 : f32
      %add3A_225 = vector.broadcast %add3A_224 : f32 to vector<16xf32>
      %add3A_226 = arith.addf %add3A_225, %mul3A_223 : vector<16xf32>
      %mul3A_227 = arith.mulf %mul3A_216, %add3A_226 : vector<16xf32>
      %add3A_228 = arith.constant 2.000000e+00 : f32
      %add3A_229 = vector.broadcast %add3A_228 : f32 to vector<16xf32>
      %add3A_230 = arith.addf %add3A_229, %mul3A_227 : vector<16xf32>
      %mul3A_231 = arith.mulf %div3A, %add3A_230 : vector<16xf32>
      %mul3A_232 = arith.constant 0.693147182 : f32
      %mul3A_233 = vector.broadcast %mul3A_232 : f32 to vector<16xf32>
      %mul3A_234 = arith.mulf %convert_element_type3A_209, %mul3A_233 : vector<16xf32>
      %add3A_235 = arith.addf %mul3A_234, %mul3A_231 : vector<16xf32>
      %add3A_236 = vector.broadcast %max3A_73 : f32 to vector<16xf32>
      %add3A_237 = arith.addf %add3A_236, %add3A_235 : vector<16xf32>
      %sub3A_238 = arith.subf %add3A_237, %get3A_20 : vector<16xf32>
      %jit3A_239 = arith.constant 0.000000e+00 : f32
      %broadcast_in_dim3A_240 = vector.broadcast %jit3A_239 : f32 to vector<16xf32>
      %select_n3A_241 = arith.select %and3A_186, %sub3A_238, %broadcast_in_dim3A_240 : vector<16xi1>, vector<16xf32>
      %add3A_242 = arith.addf %broadcast_in_dim3A_181, %select_n3A_241 : vector<16xf32>
      %ge3A_243 = arith.constant 3 : i32
      %ge3A_244 = vector.broadcast %ge3A_243 : i32 to vector<16xi32>
      %ge3A_245 = arith.cmpi sge, %add3A_13, %ge3A_244 : vector<16xi32>
      %lt3A_246 = vector.broadcast %add3A_54 : i32 to vector<16xi32>
      %lt3A_247 = arith.cmpi slt, %add3A_13, %lt3A_246 : vector<16xi32>
      %and3A_248 = arith.andi %ge3A_245, %lt3A_247 : vector<16xi1>
      %bitcast3A_249 = vector.bitcast %add3A_154 : vector<16xf32> to vector<16xi32>
      %shift_right_arithmetic3A_250 = arith.constant 23 : i32
      %shift_right_arithmetic3A_251 = vector.broadcast %shift_right_arithmetic3A_250 : i32 to vector<16xi32>
      %shift_right_arithmetic3A_252 = arith.shrsi %bitcast3A_249, %shift_right_arithmetic3A_251 : vector<16xi32>
      %sub3A_253 = arith.constant 127 : i32
      %sub3A_254 = vector.broadcast %sub3A_253 : i32 to vector<16xi32>
      %sub3A_255 = arith.subi %shift_right_arithmetic3A_252, %sub3A_254 : vector<16xi32>
      %and3A_256 = arith.constant 8388607 : i32
      %and3A_257 = vector.broadcast %and3A_256 : i32 to vector<16xi32>
      %and3A_258 = arith.andi %bitcast3A_249, %and3A_257 : vector<16xi32>
      %or3A_259 = arith.constant 1065353216 : i32
      %or3A_260 = vector.broadcast %or3A_259 : i32 to vector<16xi32>
      %or3A_261 = arith.ori %and3A_258, %or3A_260 : vector<16xi32>
      %bitcast3A_262 = vector.bitcast %or3A_261 : vector<16xi32> to vector<16xf32>
      %gt3A_263 = arith.constant 1.41421354 : f32
      %gt3A_264 = vector.broadcast %gt3A_263 : f32 to vector<16xf32>
      %gt3A_265 = arith.cmpf ogt, %bitcast3A_262, %gt3A_264 : vector<16xf32>
      %mul3A_266 = arith.constant 5.000000e-01 : f32
      %mul3A_267 = vector.broadcast %mul3A_266 : f32 to vector<16xf32>
      %mul3A_268 = arith.mulf %bitcast3A_262, %mul3A_267 : vector<16xf32>
      %select_n3A_269 = arith.select %gt3A_265, %mul3A_268, %bitcast3A_262 : vector<16xi1>, vector<16xf32>
      %jit3A_270 = arith.constant 1 : i32
      %jit3A_271 = arith.constant 0 : i32
      %broadcast_in_dim3A_272 = vector.broadcast %jit3A_270 : i32 to vector<16xi32>
      %broadcast_in_dim3A_273 = vector.broadcast %jit3A_271 : i32 to vector<16xi32>
      %select_n3A_274 = arith.select %gt3A_265, %broadcast_in_dim3A_272, %broadcast_in_dim3A_273 : vector<16xi1>, vector<16xi32>
      %add3A_275 = arith.addi %sub3A_255, %select_n3A_274 : vector<16xi32>
      %convert_element_type3A_276 = arith.sitofp %add3A_275 : vector<16xi32> to vector<16xf32>
      %sub3A_277 = arith.constant 1.000000e+00 : f32
      %sub3A_278 = vector.broadcast %sub3A_277 : f32 to vector<16xf32>
      %sub3A_279 = arith.subf %select_n3A_269, %sub3A_278 : vector<16xf32>
      %add3A_280 = arith.constant 1.000000e+00 : f32
      %add3A_281 = vector.broadcast %add3A_280 : f32 to vector<16xf32>
      %add3A_282 = arith.addf %select_n3A_269, %add3A_281 : vector<16xf32>
      %div3A_283 = arith.divf %sub3A_279, %add3A_282 : vector<16xf32>
      %mul3A_284 = arith.mulf %div3A_283, %div3A_283 : vector<16xf32>
      %mul3A_285 = arith.constant 0.285714298 : f32
      %mul3A_286 = vector.broadcast %mul3A_285 : f32 to vector<16xf32>
      %mul3A_287 = arith.mulf %mul3A_284, %mul3A_286 : vector<16xf32>
      %add3A_288 = arith.constant 4.000000e-01 : f32
      %add3A_289 = vector.broadcast %add3A_288 : f32 to vector<16xf32>
      %add3A_290 = arith.addf %add3A_289, %mul3A_287 : vector<16xf32>
      %mul3A_291 = arith.mulf %mul3A_284, %add3A_290 : vector<16xf32>
      %add3A_292 = arith.constant 0.666666686 : f32
      %add3A_293 = vector.broadcast %add3A_292 : f32 to vector<16xf32>
      %add3A_294 = arith.addf %add3A_293, %mul3A_291 : vector<16xf32>
      %mul3A_295 = arith.mulf %mul3A_284, %add3A_294 : vector<16xf32>
      %add3A_296 = arith.constant 2.000000e+00 : f32
      %add3A_297 = vector.broadcast %add3A_296 : f32 to vector<16xf32>
      %add3A_298 = arith.addf %add3A_297, %mul3A_295 : vector<16xf32>
      %mul3A_299 = arith.mulf %div3A_283, %add3A_298 : vector<16xf32>
      %mul3A_300 = arith.constant 0.693147182 : f32
      %mul3A_301 = vector.broadcast %mul3A_300 : f32 to vector<16xf32>
      %mul3A_302 = arith.mulf %convert_element_type3A_276, %mul3A_301 : vector<16xf32>
      %add3A_303 = arith.addf %mul3A_302, %mul3A_299 : vector<16xf32>
      %add3A_304 = vector.broadcast %max3A_73 : f32 to vector<16xf32>
      %add3A_305 = arith.addf %add3A_304, %add3A_303 : vector<16xf32>
      %sub3A_306 = arith.subf %add3A_305, %get3A_22 : vector<16xf32>
      %jit3A_307 = arith.constant 0.000000e+00 : f32
      %broadcast_in_dim3A_308 = vector.broadcast %jit3A_307 : f32 to vector<16xf32>
      %select_n3A_309 = arith.select %and3A_248, %sub3A_306, %broadcast_in_dim3A_308 : vector<16xi1>, vector<16xf32>
      %add3A_310 = arith.addf %add3A_242, %select_n3A_309 : vector<16xf32>
      %ge3A_311 = arith.constant 3 : i32
      %ge3A_312 = vector.broadcast %ge3A_311 : i32 to vector<16xi32>
      %ge3A_313 = arith.cmpi sge, %add3A_16, %ge3A_312 : vector<16xi32>
      %lt3A_314 = vector.broadcast %add3A_54 : i32 to vector<16xi32>
      %lt3A_315 = arith.cmpi slt, %add3A_16, %lt3A_314 : vector<16xi32>
      %and3A_316 = arith.andi %ge3A_313, %lt3A_315 : vector<16xi1>
      %bitcast3A_317 = vector.bitcast %add3A_134 : vector<16xf32> to vector<16xi32>
      %shift_right_arithmetic3A_318 = arith.constant 23 : i32
      %shift_right_arithmetic3A_319 = vector.broadcast %shift_right_arithmetic3A_318 : i32 to vector<16xi32>
      %shift_right_arithmetic3A_320 = arith.shrsi %bitcast3A_317, %shift_right_arithmetic3A_319 : vector<16xi32>
      %sub3A_321 = arith.constant 127 : i32
      %sub3A_322 = vector.broadcast %sub3A_321 : i32 to vector<16xi32>
      %sub3A_323 = arith.subi %shift_right_arithmetic3A_320, %sub3A_322 : vector<16xi32>
      %and3A_324 = arith.constant 8388607 : i32
      %and3A_325 = vector.broadcast %and3A_324 : i32 to vector<16xi32>
      %and3A_326 = arith.andi %bitcast3A_317, %and3A_325 : vector<16xi32>
      %or3A_327 = arith.constant 1065353216 : i32
      %or3A_328 = vector.broadcast %or3A_327 : i32 to vector<16xi32>
      %or3A_329 = arith.ori %and3A_326, %or3A_328 : vector<16xi32>
      %bitcast3A_330 = vector.bitcast %or3A_329 : vector<16xi32> to vector<16xf32>
      %gt3A_331 = arith.constant 1.41421354 : f32
      %gt3A_332 = vector.broadcast %gt3A_331 : f32 to vector<16xf32>
      %gt3A_333 = arith.cmpf ogt, %bitcast3A_330, %gt3A_332 : vector<16xf32>
      %mul3A_334 = arith.constant 5.000000e-01 : f32
      %mul3A_335 = vector.broadcast %mul3A_334 : f32 to vector<16xf32>
      %mul3A_336 = arith.mulf %bitcast3A_330, %mul3A_335 : vector<16xf32>
      %select_n3A_337 = arith.select %gt3A_333, %mul3A_336, %bitcast3A_330 : vector<16xi1>, vector<16xf32>
      %jit3A_338 = arith.constant 1 : i32
      %jit3A_339 = arith.constant 0 : i32
      %broadcast_in_dim3A_340 = vector.broadcast %jit3A_338 : i32 to vector<16xi32>
      %broadcast_in_dim3A_341 = vector.broadcast %jit3A_339 : i32 to vector<16xi32>
      %select_n3A_342 = arith.select %gt3A_333, %broadcast_in_dim3A_340, %broadcast_in_dim3A_341 : vector<16xi1>, vector<16xi32>
      %add3A_343 = arith.addi %sub3A_323, %select_n3A_342 : vector<16xi32>
      %convert_element_type3A_344 = arith.sitofp %add3A_343 : vector<16xi32> to vector<16xf32>
      %sub3A_345 = arith.constant 1.000000e+00 : f32
      %sub3A_346 = vector.broadcast %sub3A_345 : f32 to vector<16xf32>
      %sub3A_347 = arith.subf %select_n3A_337, %sub3A_346 : vector<16xf32>
      %add3A_348 = arith.constant 1.000000e+00 : f32
      %add3A_349 = vector.broadcast %add3A_348 : f32 to vector<16xf32>
      %add3A_350 = arith.addf %select_n3A_337, %add3A_349 : vector<16xf32>
      %div3A_351 = arith.divf %sub3A_347, %add3A_350 : vector<16xf32>
      %mul3A_352 = arith.mulf %div3A_351, %div3A_351 : vector<16xf32>
      %mul3A_353 = arith.constant 0.285714298 : f32
      %mul3A_354 = vector.broadcast %mul3A_353 : f32 to vector<16xf32>
      %mul3A_355 = arith.mulf %mul3A_352, %mul3A_354 : vector<16xf32>
      %add3A_356 = arith.constant 4.000000e-01 : f32
      %add3A_357 = vector.broadcast %add3A_356 : f32 to vector<16xf32>
      %add3A_358 = arith.addf %add3A_357, %mul3A_355 : vector<16xf32>
      %mul3A_359 = arith.mulf %mul3A_352, %add3A_358 : vector<16xf32>
      %add3A_360 = arith.constant 0.666666686 : f32
      %add3A_361 = vector.broadcast %add3A_360 : f32 to vector<16xf32>
      %add3A_362 = arith.addf %add3A_361, %mul3A_359 : vector<16xf32>
      %mul3A_363 = arith.mulf %mul3A_352, %add3A_362 : vector<16xf32>
      %add3A_364 = arith.constant 2.000000e+00 : f32
      %add3A_365 = vector.broadcast %add3A_364 : f32 to vector<16xf32>
      %add3A_366 = arith.addf %add3A_365, %mul3A_363 : vector<16xf32>
      %mul3A_367 = arith.mulf %div3A_351, %add3A_366 : vector<16xf32>
      %mul3A_368 = arith.constant 0.693147182 : f32
      %mul3A_369 = vector.broadcast %mul3A_368 : f32 to vector<16xf32>
      %mul3A_370 = arith.mulf %convert_element_type3A_344, %mul3A_369 : vector<16xf32>
      %add3A_371 = arith.addf %mul3A_370, %mul3A_367 : vector<16xf32>
      %add3A_372 = vector.broadcast %max3A_73 : f32 to vector<16xf32>
      %add3A_373 = arith.addf %add3A_372, %add3A_371 : vector<16xf32>
      %sub3A_374 = arith.subf %add3A_373, %get3A_24 : vector<16xf32>
      %jit3A_375 = arith.constant 0.000000e+00 : f32
      %broadcast_in_dim3A_376 = vector.broadcast %jit3A_375 : f32 to vector<16xf32>
      %select_n3A_377 = arith.select %and3A_316, %sub3A_374, %broadcast_in_dim3A_376 : vector<16xi1>, vector<16xf32>
      %add3A_378 = arith.addf %add3A_310, %select_n3A_377 : vector<16xf32>
      %ge3A_379 = arith.constant 3 : i32
      %ge3A_380 = vector.broadcast %ge3A_379 : i32 to vector<16xi32>
      %ge3A_381 = arith.cmpi sge, %add3A_19, %ge3A_380 : vector<16xi32>
      %lt3A_382 = vector.broadcast %add3A_54 : i32 to vector<16xi32>
      %lt3A_383 = arith.cmpi slt, %add3A_19, %lt3A_382 : vector<16xi32>
      %and3A_384 = arith.andi %ge3A_381, %lt3A_383 : vector<16xi1>
      %bitcast3A_385 = vector.bitcast %add3A_113 : vector<16xf32> to vector<16xi32>
      %shift_right_arithmetic3A_386 = arith.constant 23 : i32
      %shift_right_arithmetic3A_387 = vector.broadcast %shift_right_arithmetic3A_386 : i32 to vector<16xi32>
      %shift_right_arithmetic3A_388 = arith.shrsi %bitcast3A_385, %shift_right_arithmetic3A_387 : vector<16xi32>
      %sub3A_389 = arith.constant 127 : i32
      %sub3A_390 = vector.broadcast %sub3A_389 : i32 to vector<16xi32>
      %sub3A_391 = arith.subi %shift_right_arithmetic3A_388, %sub3A_390 : vector<16xi32>
      %and3A_392 = arith.constant 8388607 : i32
      %and3A_393 = vector.broadcast %and3A_392 : i32 to vector<16xi32>
      %and3A_394 = arith.andi %bitcast3A_385, %and3A_393 : vector<16xi32>
      %or3A_395 = arith.constant 1065353216 : i32
      %or3A_396 = vector.broadcast %or3A_395 : i32 to vector<16xi32>
      %or3A_397 = arith.ori %and3A_394, %or3A_396 : vector<16xi32>
      %bitcast3A_398 = vector.bitcast %or3A_397 : vector<16xi32> to vector<16xf32>
      %gt3A_399 = arith.constant 1.41421354 : f32
      %gt3A_400 = vector.broadcast %gt3A_399 : f32 to vector<16xf32>
      %gt3A_401 = arith.cmpf ogt, %bitcast3A_398, %gt3A_400 : vector<16xf32>
      %mul3A_402 = arith.constant 5.000000e-01 : f32
      %mul3A_403 = vector.broadcast %mul3A_402 : f32 to vector<16xf32>
      %mul3A_404 = arith.mulf %bitcast3A_398, %mul3A_403 : vector<16xf32>
      %select_n3A_405 = arith.select %gt3A_401, %mul3A_404, %bitcast3A_398 : vector<16xi1>, vector<16xf32>
      %jit3A_406 = arith.constant 1 : i32
      %jit3A_407 = arith.constant 0 : i32
      %broadcast_in_dim3A_408 = vector.broadcast %jit3A_406 : i32 to vector<16xi32>
      %broadcast_in_dim3A_409 = vector.broadcast %jit3A_407 : i32 to vector<16xi32>
      %select_n3A_410 = arith.select %gt3A_401, %broadcast_in_dim3A_408, %broadcast_in_dim3A_409 : vector<16xi1>, vector<16xi32>
      %add3A_411 = arith.addi %sub3A_391, %select_n3A_410 : vector<16xi32>
      %convert_element_type3A_412 = arith.sitofp %add3A_411 : vector<16xi32> to vector<16xf32>
      %sub3A_413 = arith.constant 1.000000e+00 : f32
      %sub3A_414 = vector.broadcast %sub3A_413 : f32 to vector<16xf32>
      %sub3A_415 = arith.subf %select_n3A_405, %sub3A_414 : vector<16xf32>
      %add3A_416 = arith.constant 1.000000e+00 : f32
      %add3A_417 = vector.broadcast %add3A_416 : f32 to vector<16xf32>
      %add3A_418 = arith.addf %select_n3A_405, %add3A_417 : vector<16xf32>
      %div3A_419 = arith.divf %sub3A_415, %add3A_418 : vector<16xf32>
      %mul3A_420 = arith.mulf %div3A_419, %div3A_419 : vector<16xf32>
      %mul3A_421 = arith.constant 0.285714298 : f32
      %mul3A_422 = vector.broadcast %mul3A_421 : f32 to vector<16xf32>
      %mul3A_423 = arith.mulf %mul3A_420, %mul3A_422 : vector<16xf32>
      %add3A_424 = arith.constant 4.000000e-01 : f32
      %add3A_425 = vector.broadcast %add3A_424 : f32 to vector<16xf32>
      %add3A_426 = arith.addf %add3A_425, %mul3A_423 : vector<16xf32>
      %mul3A_427 = arith.mulf %mul3A_420, %add3A_426 : vector<16xf32>
      %add3A_428 = arith.constant 0.666666686 : f32
      %add3A_429 = vector.broadcast %add3A_428 : f32 to vector<16xf32>
      %add3A_430 = arith.addf %add3A_429, %mul3A_427 : vector<16xf32>
      %mul3A_431 = arith.mulf %mul3A_420, %add3A_430 : vector<16xf32>
      %add3A_432 = arith.constant 2.000000e+00 : f32
      %add3A_433 = vector.broadcast %add3A_432 : f32 to vector<16xf32>
      %add3A_434 = arith.addf %add3A_433, %mul3A_431 : vector<16xf32>
      %mul3A_435 = arith.mulf %div3A_419, %add3A_434 : vector<16xf32>
      %mul3A_436 = arith.constant 0.693147182 : f32
      %mul3A_437 = vector.broadcast %mul3A_436 : f32 to vector<16xf32>
      %mul3A_438 = arith.mulf %convert_element_type3A_412, %mul3A_437 : vector<16xf32>
      %add3A_439 = arith.addf %mul3A_438, %mul3A_435 : vector<16xf32>
      %add3A_440 = vector.broadcast %max3A_73 : f32 to vector<16xf32>
      %add3A_441 = arith.addf %add3A_440, %add3A_439 : vector<16xf32>
      %sub3A_442 = arith.subf %add3A_441, %get3A_26 : vector<16xf32>
      %jit3A_443 = arith.constant 0.000000e+00 : f32
      %broadcast_in_dim3A_444 = vector.broadcast %jit3A_443 : f32 to vector<16xf32>
      %select_n3A_445 = arith.select %and3A_384, %sub3A_442, %broadcast_in_dim3A_444 : vector<16xi1>, vector<16xf32>
      %add3A_446 = arith.addf %add3A_378, %select_n3A_445 : vector<16xf32>
      %sub3A_447 = arith.constant 3 : i32
      %sub3A_448 = arith.subi %add3A_54, %sub3A_447 : i32
      %max3A_449 = arith.constant 0 : i32
      %max3A_450 = arith.maxsi %sub3A_448, %max3A_449 : i32
      %convert_element_type3A_451 = arith.sitofp %max3A_450 : i32 to f32
      %swap3A = arith.constant 0 : index
      %swap3A_452 = tpu.vector_load %arg7[%swap3A] {strides = array<i32>} : memref<32xf32, #tpu.memory_space<vmem>>, vector<16xf32>,
      tpu.vector_store %arg7[%swap3A], %add3A_446 {strides = array<i32>} : memref<32xf32, #tpu.memory_space<vmem>>, vector<16xf32>,
      %mul3A_453 = arith.constant 6.250000e-02 : f32
      %mul3A_454 = arith.mulf %convert_element_type3A_451, %mul3A_453 : f32
      %broadcast_in_dim3A_455 = vector.broadcast %mul3A_454 : f32 to vector<16xf32>
      %swap3A_456 = arith.constant 16 : index
      %swap3A_457 = tpu.vector_load %arg7[%swap3A_456] {strides = array<i32>} : memref<32xf32, #tpu.memory_space<vmem>>, vector<16xf32>,
      tpu.vector_store %arg7[%swap3A_456], %broadcast_in_dim3A_455 {strides = array<i32>} : memref<32xf32, #tpu.memory_space<vmem>>, vector<16xf32>,
      "tpu.region"() ({
        %run_scoped3A = tpu.sem_alloc : memref<!tpu.dma_semaphore, #tpu.memory_space<semaphore_mem>>
        %dma_start3A = arith.constant 0 : i32
        %dma_start3A_458 = tpu.memref_slice %arg10[%arg1, %dma_start3A] : memref<16x32xf32, #tpu.memory_space<vmem_shared>> -> memref<1x32xf32, #tpu.memory_space<vmem_shared>>
        %dma_start3A_459 = tpu.memref_squeeze %dma_start3A_458 : memref<1x32xf32, #tpu.memory_space<vmem_shared>> -> memref<32xf32, #tpu.memory_space<vmem_shared>>
        %dma_start3A_460 = arith.constant 0 : i32
        %dma_start3A_461 = tpu.memref_slice %arg10[%arg1, %dma_start3A_460] : memref<16x32xf32, #tpu.memory_space<vmem_shared>> -> memref<1x32xf32, #tpu.memory_space<vmem_shared>>
        %dma_start3A_462 = tpu.memref_squeeze %dma_start3A_461 : memref<1x32xf32, #tpu.memory_space<vmem_shared>> -> memref<32xf32, #tpu.memory_space<vmem_shared>>
        tpu.enqueue_dma source(%arg7 : memref<32xf32, #tpu.memory_space<vmem>>) target(%dma_start3A_462 : memref<32xf32, #tpu.memory_space<vmem_shared>>) target_semaphore(%run_scoped3A : memref<!tpu.dma_semaphore, #tpu.memory_space<semaphore_mem>>)
        %dma_wait3A = arith.constant 0 : i32
        %dma_wait3A_463 = tpu.memref_slice %arg10[%arg1, %dma_wait3A] : memref<16x32xf32, #tpu.memory_space<vmem_shared>> -> memref<1x32xf32, #tpu.memory_space<vmem_shared>>
        %dma_wait3A_464 = tpu.memref_squeeze %dma_wait3A_463 : memref<1x32xf32, #tpu.memory_space<vmem_shared>> -> memref<32xf32, #tpu.memory_space<vmem_shared>>
        %dma_wait3A_465 = arith.constant 0 : i32
        %dma_wait3A_466 = tpu.memref_slice %arg10[%arg1, %dma_wait3A_465] : memref<16x32xf32, #tpu.memory_space<vmem_shared>> -> memref<1x32xf32, #tpu.memory_space<vmem_shared>>
        %dma_wait3A_467 = tpu.memref_squeeze %dma_wait3A_466 : memref<1x32xf32, #tpu.memory_space<vmem_shared>> -> memref<32xf32, #tpu.memory_space<vmem_shared>>
        tpu.wait_dma2 semaphore(%run_scoped3A : memref<!tpu.dma_semaphore, #tpu.memory_space<semaphore_mem>>) src(%arg7 : memref<32xf32, #tpu.memory_space<vmem>>) dst(%dma_wait3A_467 : memref<32xf32, #tpu.memory_space<vmem_shared>>)
        tpu.yield
      }) : () -> ()
    } else {
    }
    %barrier3A = arith.constant 0 : index
    tpu.barrier barrier_id(%barrier3A)
    %eq3A_2 = arith.constant 0 : i32
    %eq3A_3 = arith.cmpi eq, %arg0, %eq3A_2 : i32
    %eq3A_4 = arith.constant 0 : i32
    %eq3A_5 = arith.cmpi eq, %arg1, %eq3A_4 : i32
    %and3A = arith.andi %eq3A_3, %eq3A_5 : i1
    %convert_element_type3A_6 = arith.extui %and3A : i1 to i32
    %cond3A_7 = arith.constant 0 : i32
    %cond3A_8 = arith.cmpi ne, %convert_element_type3A_6, %cond3A_7 : i32
    scf.if %cond3A_8 {
      "tpu.region"() ({
        %run_scoped3A = tpu.sem_alloc : memref<!tpu.dma_semaphore, #tpu.memory_space<semaphore_mem>>
        tpu.enqueue_dma source(%arg10 : memref<16x32xf32, #tpu.memory_space<vmem_shared>>) target(%arg9 : memref<16x32xf32, #tpu.memory_space<vmem>>) target_semaphore(%run_scoped3A : memref<!tpu.dma_semaphore, #tpu.memory_space<semaphore_mem>>)
        tpu.wait_dma2 semaphore(%run_scoped3A : memref<!tpu.dma_semaphore, #tpu.memory_space<semaphore_mem>>) src(%arg10 : memref<16x32xf32, #tpu.memory_space<vmem_shared>>) dst(%arg9 : memref<16x32xf32, #tpu.memory_space<vmem>>)
        tpu.yield
      }) : () -> ()
      %broadcast_in_dim3A = arith.constant 0.000000e+00 : f32
      %broadcast_in_dim3A_9 = vector.broadcast %broadcast_in_dim3A : f32 to vector<16xf32>
      %broadcast_in_dim3A_10 = arith.constant 0.000000e+00 : f32
      %broadcast_in_dim3A_11 = vector.broadcast %broadcast_in_dim3A_10 : f32 to vector<16xf32>
      %get3A = arith.constant 0 : i32
      %get3A_12 = arith.index_cast %get3A : i32 to index
      %get3A_13 = arith.constant 0 : index
      %get3A_14 = tpu.vector_load %arg9[%get3A_12, %get3A_13] {strides = array<i32>} : memref<16x32xf32, #tpu.memory_space<vmem>>, vector<16xf32>,
      %add3A = arith.addf %broadcast_in_dim3A_9, %get3A_14 : vector<16xf32>
      %get3A_15 = arith.constant 0 : i32
      %get3A_16 = arith.index_cast %get3A_15 : i32 to index
      %get3A_17 = arith.constant 16 : index
      %get3A_18 = tpu.vector_load %arg9[%get3A_16, %get3A_17] {strides = array<i32>} : memref<16x32xf32, #tpu.memory_space<vmem>>, vector<16xf32>,
      %add3A_19 = arith.addf %broadcast_in_dim3A_11, %get3A_18 : vector<16xf32>
      %get3A_20 = arith.constant 1 : i32
      %get3A_21 = arith.index_cast %get3A_20 : i32 to index
      %get3A_22 = arith.constant 0 : index
      %get3A_23 = tpu.vector_load %arg9[%get3A_21, %get3A_22] {strides = array<i32>} : memref<16x32xf32, #tpu.memory_space<vmem>>, vector<16xf32>,
      %add3A_24 = arith.addf %add3A, %get3A_23 : vector<16xf32>
      %get3A_25 = arith.constant 1 : i32
      %get3A_26 = arith.index_cast %get3A_25 : i32 to index
      %get3A_27 = arith.constant 16 : index
      %get3A_28 = tpu.vector_load %arg9[%get3A_26, %get3A_27] {strides = array<i32>} : memref<16x32xf32, #tpu.memory_space<vmem>>, vector<16xf32>,
      %add3A_29 = arith.addf %add3A_19, %get3A_28 : vector<16xf32>
      %get3A_30 = arith.constant 2 : i32
      %get3A_31 = arith.index_cast %get3A_30 : i32 to index
      %get3A_32 = arith.constant 0 : index
      %get3A_33 = tpu.vector_load %arg9[%get3A_31, %get3A_32] {strides = array<i32>} : memref<16x32xf32, #tpu.memory_space<vmem>>, vector<16xf32>,
      %add3A_34 = arith.addf %add3A_24, %get3A_33 : vector<16xf32>
      %get3A_35 = arith.constant 2 : i32
      %get3A_36 = arith.index_cast %get3A_35 : i32 to index
      %get3A_37 = arith.constant 16 : index
      %get3A_38 = tpu.vector_load %arg9[%get3A_36, %get3A_37] {strides = array<i32>} : memref<16x32xf32, #tpu.memory_space<vmem>>, vector<16xf32>,
      %add3A_39 = arith.addf %add3A_29, %get3A_38 : vector<16xf32>
      %get3A_40 = arith.constant 3 : i32
      %get3A_41 = arith.index_cast %get3A_40 : i32 to index
      %get3A_42 = arith.constant 0 : index
      %get3A_43 = tpu.vector_load %arg9[%get3A_41, %get3A_42] {strides = array<i32>} : memref<16x32xf32, #tpu.memory_space<vmem>>, vector<16xf32>,
      %add3A_44 = arith.addf %add3A_34, %get3A_43 : vector<16xf32>
      %get3A_45 = arith.constant 3 : i32
      %get3A_46 = arith.index_cast %get3A_45 : i32 to index
      %get3A_47 = arith.constant 16 : index
      %get3A_48 = tpu.vector_load %arg9[%get3A_46, %get3A_47] {strides = array<i32>} : memref<16x32xf32, #tpu.memory_space<vmem>>, vector<16xf32>,
      %add3A_49 = arith.addf %add3A_39, %get3A_48 : vector<16xf32>
      %get3A_50 = arith.constant 4 : i32
      %get3A_51 = arith.index_cast %get3A_50 : i32 to index
      %get3A_52 = arith.constant 0 : index
      %get3A_53 = tpu.vector_load %arg9[%get3A_51, %get3A_52] {strides = array<i32>} : memref<16x32xf32, #tpu.memory_space<vmem>>, vector<16xf32>,
      %add3A_54 = arith.addf %add3A_44, %get3A_53 : vector<16xf32>
      %get3A_55 = arith.constant 4 : i32
      %get3A_56 = arith.index_cast %get3A_55 : i32 to index
      %get3A_57 = arith.constant 16 : index
      %get3A_58 = tpu.vector_load %arg9[%get3A_56, %get3A_57] {strides = array<i32>} : memref<16x32xf32, #tpu.memory_space<vmem>>, vector<16xf32>,
      %add3A_59 = arith.addf %add3A_49, %get3A_58 : vector<16xf32>
      %get3A_60 = arith.constant 5 : i32
      %get3A_61 = arith.index_cast %get3A_60 : i32 to index
      %get3A_62 = arith.constant 0 : index
      %get3A_63 = tpu.vector_load %arg9[%get3A_61, %get3A_62] {strides = array<i32>} : memref<16x32xf32, #tpu.memory_space<vmem>>, vector<16xf32>,
      %add3A_64 = arith.addf %add3A_54, %get3A_63 : vector<16xf32>
      %get3A_65 = arith.constant 5 : i32
      %get3A_66 = arith.index_cast %get3A_65 : i32 to index
      %get3A_67 = arith.constant 16 : index
      %get3A_68 = tpu.vector_load %arg9[%get3A_66, %get3A_67] {strides = array<i32>} : memref<16x32xf32, #tpu.memory_space<vmem>>, vector<16xf32>,
      %add3A_69 = arith.addf %add3A_59, %get3A_68 : vector<16xf32>
      %get3A_70 = arith.constant 6 : i32
      %get3A_71 = arith.index_cast %get3A_70 : i32 to index
      %get3A_72 = arith.constant 0 : index
      %get3A_73 = tpu.vector_load %arg9[%get3A_71, %get3A_72] {strides = array<i32>} : memref<16x32xf32, #tpu.memory_space<vmem>>, vector<16xf32>,
      %add3A_74 = arith.addf %add3A_64, %get3A_73 : vector<16xf32>
      %get3A_75 = arith.constant 6 : i32
      %get3A_76 = arith.index_cast %get3A_75 : i32 to index
      %get3A_77 = arith.constant 16 : index
      %get3A_78 = tpu.vector_load %arg9[%get3A_76, %get3A_77] {strides = array<i32>} : memref<16x32xf32, #tpu.memory_space<vmem>>, vector<16xf32>,
      %add3A_79 = arith.addf %add3A_69, %get3A_78 : vector<16xf32>
      %get3A_80 = arith.constant 7 : i32
      %get3A_81 = arith.index_cast %get3A_80 : i32 to index
      %get3A_82 = arith.constant 0 : index
      %get3A_83 = tpu.vector_load %arg9[%get3A_81, %get3A_82] {strides = array<i32>} : memref<16x32xf32, #tpu.memory_space<vmem>>, vector<16xf32>,
      %add3A_84 = arith.addf %add3A_74, %get3A_83 : vector<16xf32>
      %get3A_85 = arith.constant 7 : i32
      %get3A_86 = arith.index_cast %get3A_85 : i32 to index
      %get3A_87 = arith.constant 16 : index
      %get3A_88 = tpu.vector_load %arg9[%get3A_86, %get3A_87] {strides = array<i32>} : memref<16x32xf32, #tpu.memory_space<vmem>>, vector<16xf32>,
      %add3A_89 = arith.addf %add3A_79, %get3A_88 : vector<16xf32>
      %get3A_90 = arith.constant 8 : i32
      %get3A_91 = arith.index_cast %get3A_90 : i32 to index
      %get3A_92 = arith.constant 0 : index
      %get3A_93 = tpu.vector_load %arg9[%get3A_91, %get3A_92] {strides = array<i32>} : memref<16x32xf32, #tpu.memory_space<vmem>>, vector<16xf32>,
      %add3A_94 = arith.addf %add3A_84, %get3A_93 : vector<16xf32>
      %get3A_95 = arith.constant 8 : i32
      %get3A_96 = arith.index_cast %get3A_95 : i32 to index
      %get3A_97 = arith.constant 16 : index
      %get3A_98 = tpu.vector_load %arg9[%get3A_96, %get3A_97] {strides = array<i32>} : memref<16x32xf32, #tpu.memory_space<vmem>>, vector<16xf32>,
      %add3A_99 = arith.addf %add3A_89, %get3A_98 : vector<16xf32>
      %get3A_100 = arith.constant 9 : i32
      %get3A_101 = arith.index_cast %get3A_100 : i32 to index
      %get3A_102 = arith.constant 0 : index
      %get3A_103 = tpu.vector_load %arg9[%get3A_101, %get3A_102] {strides = array<i32>} : memref<16x32xf32, #tpu.memory_space<vmem>>, vector<16xf32>,
      %add3A_104 = arith.addf %add3A_94, %get3A_103 : vector<16xf32>
      %get3A_105 = arith.constant 9 : i32
      %get3A_106 = arith.index_cast %get3A_105 : i32 to index
      %get3A_107 = arith.constant 16 : index
      %get3A_108 = tpu.vector_load %arg9[%get3A_106, %get3A_107] {strides = array<i32>} : memref<16x32xf32, #tpu.memory_space<vmem>>, vector<16xf32>,
      %add3A_109 = arith.addf %add3A_99, %get3A_108 : vector<16xf32>
      %get3A_110 = arith.constant 10 : i32
      %get3A_111 = arith.index_cast %get3A_110 : i32 to index
      %get3A_112 = arith.constant 0 : index
      %get3A_113 = tpu.vector_load %arg9[%get3A_111, %get3A_112] {strides = array<i32>} : memref<16x32xf32, #tpu.memory_space<vmem>>, vector<16xf32>,
      %add3A_114 = arith.addf %add3A_104, %get3A_113 : vector<16xf32>
      %get3A_115 = arith.constant 10 : i32
      %get3A_116 = arith.index_cast %get3A_115 : i32 to index
      %get3A_117 = arith.constant 16 : index
      %get3A_118 = tpu.vector_load %arg9[%get3A_116, %get3A_117] {strides = array<i32>} : memref<16x32xf32, #tpu.memory_space<vmem>>, vector<16xf32>,
      %add3A_119 = arith.addf %add3A_109, %get3A_118 : vector<16xf32>
      %get3A_120 = arith.constant 11 : i32
      %get3A_121 = arith.index_cast %get3A_120 : i32 to index
      %get3A_122 = arith.constant 0 : index
      %get3A_123 = tpu.vector_load %arg9[%get3A_121, %get3A_122] {strides = array<i32>} : memref<16x32xf32, #tpu.memory_space<vmem>>, vector<16xf32>,
      %add3A_124 = arith.addf %add3A_114, %get3A_123 : vector<16xf32>
      %get3A_125 = arith.constant 11 : i32
      %get3A_126 = arith.index_cast %get3A_125 : i32 to index
      %get3A_127 = arith.constant 16 : index
      %get3A_128 = tpu.vector_load %arg9[%get3A_126, %get3A_127] {strides = array<i32>} : memref<16x32xf32, #tpu.memory_space<vmem>>, vector<16xf32>,
      %add3A_129 = arith.addf %add3A_119, %get3A_128 : vector<16xf32>
      %get3A_130 = arith.constant 12 : i32
      %get3A_131 = arith.index_cast %get3A_130 : i32 to index
      %get3A_132 = arith.constant 0 : index
      %get3A_133 = tpu.vector_load %arg9[%get3A_131, %get3A_132] {strides = array<i32>} : memref<16x32xf32, #tpu.memory_space<vmem>>, vector<16xf32>,
      %add3A_134 = arith.addf %add3A_124, %get3A_133 : vector<16xf32>
      %get3A_135 = arith.constant 12 : i32
      %get3A_136 = arith.index_cast %get3A_135 : i32 to index
      %get3A_137 = arith.constant 16 : index
      %get3A_138 = tpu.vector_load %arg9[%get3A_136, %get3A_137] {strides = array<i32>} : memref<16x32xf32, #tpu.memory_space<vmem>>, vector<16xf32>,
      %add3A_139 = arith.addf %add3A_129, %get3A_138 : vector<16xf32>
      %get3A_140 = arith.constant 13 : i32
      %get3A_141 = arith.index_cast %get3A_140 : i32 to index
      %get3A_142 = arith.constant 0 : index
      %get3A_143 = tpu.vector_load %arg9[%get3A_141, %get3A_142] {strides = array<i32>} : memref<16x32xf32, #tpu.memory_space<vmem>>, vector<16xf32>,
      %add3A_144 = arith.addf %add3A_134, %get3A_143 : vector<16xf32>
      %get3A_145 = arith.constant 13 : i32
      %get3A_146 = arith.index_cast %get3A_145 : i32 to index
      %get3A_147 = arith.constant 16 : index
      %get3A_148 = tpu.vector_load %arg9[%get3A_146, %get3A_147] {strides = array<i32>} : memref<16x32xf32, #tpu.memory_space<vmem>>, vector<16xf32>,
      %add3A_149 = arith.addf %add3A_139, %get3A_148 : vector<16xf32>
      %get3A_150 = arith.constant 14 : i32
      %get3A_151 = arith.index_cast %get3A_150 : i32 to index
      %get3A_152 = arith.constant 0 : index
      %get3A_153 = tpu.vector_load %arg9[%get3A_151, %get3A_152] {strides = array<i32>} : memref<16x32xf32, #tpu.memory_space<vmem>>, vector<16xf32>,
      %add3A_154 = arith.addf %add3A_144, %get3A_153 : vector<16xf32>
      %get3A_155 = arith.constant 14 : i32
      %get3A_156 = arith.index_cast %get3A_155 : i32 to index
      %get3A_157 = arith.constant 16 : index
      %get3A_158 = tpu.vector_load %arg9[%get3A_156, %get3A_157] {strides = array<i32>} : memref<16x32xf32, #tpu.memory_space<vmem>>, vector<16xf32>,
      %add3A_159 = arith.addf %add3A_149, %get3A_158 : vector<16xf32>
      %get3A_160 = arith.constant 15 : i32
      %get3A_161 = arith.index_cast %get3A_160 : i32 to index
      %get3A_162 = arith.constant 0 : index
      %get3A_163 = tpu.vector_load %arg9[%get3A_161, %get3A_162] {strides = array<i32>} : memref<16x32xf32, #tpu.memory_space<vmem>>, vector<16xf32>,
      %add3A_164 = arith.addf %add3A_154, %get3A_163 : vector<16xf32>
      %get3A_165 = arith.constant 15 : i32
      %get3A_166 = arith.index_cast %get3A_165 : i32 to index
      %get3A_167 = arith.constant 16 : index
      %get3A_168 = tpu.vector_load %arg9[%get3A_166, %get3A_167] {strides = array<i32>} : memref<16x32xf32, #tpu.memory_space<vmem>>, vector<16xf32>,
      %add3A_169 = arith.addf %add3A_159, %get3A_168 : vector<16xf32>
      %reduce_sum3A = arith.constant true
      %reduce_sum3A_170 = vector.broadcast %reduce_sum3A : i1 to vector<16xi1>
      %reduce_sum3A_171 = tpu.scan <sum>, %add3A_164 masked %reduce_sum3A_170 : vector<16xf32>, vector<16xi1> -> vector<16xf32>
      %reduce_sum3A_172 = vector.extract %reduce_sum3A_171[15] : f32 from vector<16xf32>
      %broadcast_in_dim3A_173 = vector.broadcast %reduce_sum3A_172 : f32 to vector<16xf32>
      %reduce_sum3A_174 = arith.constant true
      %reduce_sum3A_175 = vector.broadcast %reduce_sum3A_174 : i1 to vector<16xi1>
      %reduce_sum3A_176 = tpu.scan <sum>, %add3A_169 masked %reduce_sum3A_175 : vector<16xf32>, vector<16xi1> -> vector<16xf32>
      %reduce_sum3A_177 = vector.extract %reduce_sum3A_176[15] : f32 from vector<16xf32>
      %broadcast_in_dim3A_178 = vector.broadcast %reduce_sum3A_177 : f32 to vector<16xf32>
      %div3A = arith.divf %broadcast_in_dim3A_173, %broadcast_in_dim3A_178 : vector<16xf32>
      %swap3A = arith.constant 0 : index
      %swap3A_179 = tpu.vector_load %arg8[%swap3A] {strides = array<i32>} : memref<16xf32, #tpu.memory_space<vmem>>, vector<16xf32>,
      tpu.vector_store %arg8[%swap3A], %div3A {strides = array<i32>} : memref<16xf32, #tpu.memory_space<vmem>>, vector<16xf32>,
      "tpu.region"() ({
        %run_scoped3A = tpu.sem_alloc : memref<!tpu.dma_semaphore, #tpu.memory_space<semaphore_mem>>
        tpu.enqueue_dma source(%arg8 : memref<16xf32, #tpu.memory_space<vmem>>) target(%arg4 : memref<16xf32, #tpu.memory_space<hbm>>) target_semaphore(%run_scoped3A : memref<!tpu.dma_semaphore, #tpu.memory_space<semaphore_mem>>)
        tpu.wait_dma2 semaphore(%run_scoped3A : memref<!tpu.dma_semaphore, #tpu.memory_space<semaphore_mem>>) src(%arg8 : memref<16xf32, #tpu.memory_space<vmem>>) dst(%arg4 : memref<16xf32, #tpu.memory_space<hbm>>)
        tpu.yield
      }) : () -> ()
    } else {
    }
    return
  }
}

module attributes {stable_mosaic.version = 14 : i64} {
  func.func @_bk_kernel(%arg0: memref<16x64x1024xf32, #tpu.memory_space<vmem>>, %arg1: memref<1x1024xf32, #tpu.memory_space<vmem>>, %arg2: memref<16x64xf32, #tpu.memory_space<vmem>>) attributes {dimension_semantics = [], scalar_prefetch = 0 : i64, scratch_operands = 0 : i64, tpu.core_type = #tpu.core_type<tc>} {
    %get3A = arith.constant 0 : index
    %get3A_0 = arith.constant 0 : index
    %get3A_1 = arith.constant 0 : index
    %get3A_2 = vector.load %arg0[%get3A, %get3A_0, %get3A_1] : memref<16x64x1024xf32, #tpu.memory_space<vmem>>, vector<16x64x1024xf32>
    %get3A_3 = arith.constant 0 : index
    %get3A_4 = arith.constant 0 : index
    %get3A_5 = vector.load %arg1[%get3A_3, %get3A_4] : memref<1x1024xf32, #tpu.memory_space<vmem>>, vector<1x1024xf32>
    %broadcast_in_dim3A = vector.shape_cast %get3A_5 : vector<1x1024xf32> to vector<1x1x1024xf32>
    %mul3A = vector.broadcast %broadcast_in_dim3A : vector<1x1x1024xf32> to vector<16x64x1024xf32>
    %mul3A_6 = arith.mulf %get3A_2, %mul3A : vector<16x64x1024xf32>
    %reduce_sum3A = arith.constant dense<0.000000e+00> : vector<16x64xf32>
    %reduce_sum3A_7 = vector.multi_reduction <add>, %mul3A_6, %reduce_sum3A [2] : vector<16x64x1024xf32> to vector<16x64xf32>
    %swap3A = arith.constant 0 : index
    %swap3A_8 = arith.constant 0 : index
    %swap3A_9 = vector.load %arg2[%swap3A, %swap3A_8] : memref<16x64xf32, #tpu.memory_space<vmem>>, vector<16x64xf32>
    tpu.vector_store %arg2[%swap3A, %swap3A_8], %reduce_sum3A_7 {strides = array<i32>} : memref<16x64xf32, #tpu.memory_space<vmem>>, vector<16x64xf32>,
    return
  }
}

</mosaic_0001>

<sc_bundles>
// kernel: _hybrid_loss.4.cloned.1.call-start
scs
__scs_entry_jumppad:
0x0: {  	(pc) =	sbr.rel $0x88, $3  }
0x1: {  	(tag) =	ssettag $0x0;
	lr =	simm.s32 $0x1  }
0x2: {  	[smem:$0x3F9E] =	sst lr;
	_ =	strace $0xD0000000  }
0x3: {  	_ = 	snop  }
0x4: {  	_ = 	snop  }
0x5: {  	_ = 	snop  }
0x6: {  	_ = 	snop  }
0x7: {  	_ = 	snop  }
__scs_overlays_trampoline_lowered:
0x8: {  	[smem:$0x3FAD] =	sst s0  }
0x9: {  	[smem:$0x3FAE] =	sst s1  }
0xa: {  	[smem:$0x3FAF] =	sst s2  }
0xb: {  	[smem:$0x3FB0] =	sst s3  }
0xc: {  	[smem:$0x3FB1] =	sst s4  }
0xd: {  	[smem:$0x3FB2] =	sst s5  }
0xe: {  	[smem:$0x3FB3] =	sst s6  }
0xf: {  	[smem:$0x3FB4] =	sst s7  }
0x10: {  	[smem:$0x3FB5] =	sst s8  }
0x11: {  	[smem:$0x3FB6] =	sst s9;
	s0 =	simm.s32 @!p0 $0x0  }
0x12: {  	s1 =	sld [smem:$0x3F9C];
	s0 =	simm.s32 @p0 $0x1  }
0x13: {  	[smem:$0x3FB7] =	sst s0;
	s0 =	simm.s32 @!p1 $0x0  }
0x14: {  	s2 =	sld [smem:$0x3F9B];
	s0 =	simm.s32 @p1 $0x1  }
0x15: {  	[smem:$0x3FB8] =	sst s0;
	s0 =	simm.s32 @!p2 $0x0  }
0x16: {  	s3 =	sld [smem:$0x3FDB];
	s0 =	simm.s32 @p2 $0x1  }
0x17: {  	s4 =	simm.s32 $0x1BF5;
	[smem:$0x3FBA] =	sst s0  }
0x18: {  	s0 =	sld [smem:$0x3F9D];
	_ =	swait.ge [sflag:s4], $0x0  }
0x19: {  	s7 =	sld [smem:$0x3F9E]  }
0x1a: {  	s8 =	sadd.s32 $0xFFFFE003, lr  }
0x1b: {  	s9 =	sadd.s32 $0xFFFFFEF7, lr;
	s5 =	simm.s32 $0xFFFFFFFF;
	p2 =	slt.u32 s8, $0xFFFFF086  }
0x1c: {  	p1 =	slt.u32 s9, $0xF7A;
	s5 =	simm.s32 @!p2 $0x0  }
0x1d: {  	s5 =	simm.s32 @p1 $0x1;
	p0 =	seq.s32 s7, s2  }
0x1e: {  	s7 =	smul.u32 @!p0 $0xF7A, s2;
	p2 =	seq.s32 @!p0 s5, $0x0  }
0x1f: {  	s9 =	smul.u32 $0xF7A, s1;
	s8 =	simm.s32 @!p0 $0x1BF5;
	p2 =	por !p2, p0  }
0x20: {  	[sflag:s8] =	ssyncset.s32 @!p0 $0xFFFFF086;
	s6 =	sadd.s32 @!p0 s3, s7;
	s7 =	simm.s32 @!p0 $0x108  }
0x21: {  	s3 =	sadd.s32 s3, s9;
	s6 =	sadd.s32 @!p0 $0x88, s6;
	s7 =	simm.s32 @p2 $0x1082  }
0x22: {  	[simem:s7], [sflag:s8] =	dma.local @!p0 [hbm:s6], $0xF7A  }
0x23: {  	s9 =	sor.u32 $0xD0000000, s2;
	s6 =	simm.s32 $0x108;
	_ =	swait.ge @!p0 [sflag:s8], $0x0  }
0x24: {  	s3 =	sadd.s32 $0x88, s3;
	s6 =	simm.s32 @!p1 $0x1082;
	[sflag:s4] =	ssyncset.s32 $0xFFFFF086  }
0x25: {  	[simem:s6], [sflag:s4] =	dma.local [hbm:s3], $0xF7A  }
0x26: {  	[smem:$0x3F9E] =	sst s1;
	(tag) =	ssettag s2;
	_ =	strace s9  }
0x27: {  	s1 =	sld [smem:$0x3FAE]  }
0x28: {  	s2 =	sld [smem:$0x3FAF]  }
0x29: {  	s4 =	sld [smem:$0x3FB1]  }
0x2a: {  	p0 =	seq.s32 s5, $0x0;
	s5 =	sld [smem:$0x3FB2]  }
0x2b: {  	s6 =	sld [smem:$0x3FB3]  }
0x2c: {  	s7 =	sld [smem:$0x3FB4]  }
0x2d: {  	s3 =	simm.s32 $0x108;
	s8 =	sld [smem:$0x3FB5]  }
0x2e: {  	s3 =	simm.s32 @!p0 $0x1082;
	s9 =	sld [smem:$0x3FB6]  }
0x2f: {  	lr =	sadd.s32 s0, s3;
	s0 =	sld [smem:$0x3FAD]  }
0x30: {  	s3 =	sld [smem:$0x3FB0]  }
0x31: {  	[smem:$0x3FB9] =	sst s10  }
0x32: {  	s10 =	sld [smem:$0x3FB7];
	_ =	sdelay $0x3  }
0x33: {  	p0 =	seq.s32 s10, $0x1;
	s10 =	sld [smem:$0x3FB9];
	_ =	sdelay $0x3  }
0x34: {  	[smem:$0x3FB9] =	sst s10  }
0x35: {  	s10 =	sld [smem:$0x3FB8];
	_ =	sdelay $0x3  }
0x36: {  	p1 =	seq.s32 s10, $0x1;
	s10 =	sld [smem:$0x3FB9];
	_ =	sdelay $0x3  }
0x37: {  	[smem:$0x3FB9] =	sst s10  }
0x38: {  	s10 =	sld [smem:$0x3FBA]  }
0x39: {  	_ = 	snop;
	(pc) =	sbr.ind lr, $3  }
0x3a: {  	_ = 	snop  }
0x3b: {  	_ = 	snop  }
0x3c: {  	p2 =	seq.s32 s10, $0x1;
	s10 =	sld [smem:$0x3FB9]  }
0x3d: {  	_ =	shalt  }
0x3e: {  	_ =	shalt  }
0x3f: {  	_ =	shalt  }
0x40: {  	_ =	shalt  }
0x41: {  	_ =	shalt  }
0x42: {  	_ =	shalt  }
0x43: {  	_ =	shalt  }
0x44: {  	_ =	shalt  }
0x45: {  	_ =	shalt  }
0x46: {  	_ =	shalt  }
0x47: {  	_ =	shalt  }
0x48: {  	_ =	shalt  }
0x49: {  	_ =	shalt  }
0x4a: {  	_ =	shalt  }
0x4b: {  	_ =	shalt  }
0x4c: {  	_ =	shalt  }
0x4d: {  	_ =	shalt  }
0x4e: {  	_ =	shalt  }
0x4f: {  	_ =	shalt  }
0x50: {  	_ =	shalt  }
0x51: {  	_ =	shalt  }
0x52: {  	_ =	shalt  }
0x53: {  	_ =	shalt  }
0x54: {  	_ =	shalt  }
0x55: {  	_ =	shalt  }
0x56: {  	_ =	shalt  }
0x57: {  	_ =	shalt  }
0x58: {  	_ =	shalt  }
0x59: {  	_ =	shalt  }
0x5a: {  	_ =	shalt  }
0x5b: {  	_ =	shalt  }
0x5c: {  	_ =	shalt  }
0x5d: {  	_ =	shalt  }
0x5e: {  	_ =	shalt  }
0x5f: {  	_ =	shalt  }
0x60: {  	_ =	shalt  }
0x61: {  	_ =	shalt  }
0x62: {  	_ =	shalt  }
0x63: {  	_ =	shalt  }
0x64: {  	_ =	shalt  }
0x65: {  	_ =	shalt  }
0x66: {  	_ =	shalt  }
0x67: {  	_ =	shalt  }
0x68: {  	_ =	shalt  }
0x69: {  	_ =	shalt  }
0x6a: {  	_ =	shalt  }
0x6b: {  	_ =	shalt  }
0x6c: {  	_ =	shalt  }
0x6d: {  	_ =	shalt  }
0x6e: {  	_ =	shalt  }
0x6f: {  	_ =	shalt  }
0x70: {  	_ =	shalt  }
0x71: {  	_ =	shalt  }
0x72: {  	_ =	shalt  }
0x73: {  	_ =	shalt  }
0x74: {  	_ =	shalt  }
0x75: {  	_ =	shalt  }
0x76: {  	_ =	shalt  }
0x77: {  	_ =	shalt  }
0x78: {  	_ =	shalt  }
0x79: {  	_ =	shalt  }
0x7a: {  	_ =	shalt  }
0x7b: {  	_ =	shalt  }
0x7c: {  	_ =	shalt  }
0x7d: {  	_ =	shalt  }
0x7e: {  	_ =	shalt  }
0x7f: {  	_ =	shalt  }
0x80: {  	_ =	shalt  }
0x81: {  	_ =	shalt  }
0x82: {  	_ =	shalt  }
0x83: {  	_ =	shalt  }
0x84: {  	_ =	shalt  }
0x85: {  	_ =	shalt  }
0x86: {  	_ =	shalt  }
0x87: {  	_ =	shalt  }
.Lfunc_end0:
.L_simem_size_0:
called_computation_lowered:
.L_overlay_start_0:
0x88: {  	s2 =	sld [smem:$0x3FD9]  }
0x89: {  	s3 =	sld [smem:$0x3FFE];
	_ =	sdelay $0x1  }
0x8a: {  	s1 =	srdreg.scid  }
0x8b: {  	s0 =	sand.u32 $0x1, s1  }
0x8c: {  	s17 =	sshll.u32 s0, $0xA;
	s2 =	sadd.s32 s3, s2  }
0x8d: {  	s2 =	sadd.s32 s2, s17  }
0x8e: {  	[smem:$0x3FC5] =	sst s2  }
0x8f: {  	_ = 	snop  }
0x90: {  	s2 =	sld [smem:$0x3FD0];
	(tm) =	ssettm $0x1  }
0x91: {  	s18 =	sld [smem:$0x3FFB];
	_ =	sdelay $0x3  }
0x92: {  	_ =	strace s18  }
0x93: {  	s3 =	sld [smem:$0x3FFC];
	_ =	sdelay $0x3  }
0x94: {  	_ =	strace s3  }
0x95: {  	s3 =	sld [smem:$0x3FFD];
	_ =	sdelay $0x3  }
0x96: {  	_ =	strace s3  }
0x97: {  	_ =	strace $0x8FFFFFFF  }
0x98: {  	s19 =	sld [smem:$0x3FDB];
	_ =	sdelay $0x1  }
0x99: {  	s4 =	simm.s32 $_scs_section_size  }
0x9a: {  	s5 =	simm.s32 $_size__tile_overlayer_lowered;
	s6 =	simm.s32 $_tile_overlayer_lowered  }
0x9b: {  	s22 =	simm.s32 $0x1BFF;
	s21 =	sshll.u32 s6, $0x1;
	s3 =	sadd.s32 s4, s19  }
0x9c: {  	s7 =	simm.s32 $0x0;
	s20 =	sshll.u32 s5, $0x1;
	s5 =	sadd.s32 s21, s3  }
0x9d: {  	[timem:s7], [sflag:s22] =	dma.local [hbm:s5], s20  }
0x9e: {  	_ =	swait.ge [sflag:s22], s20  }
0x9f: {  	s4 =	ssub.s32 $0x0, s20;
	[sflag:s22] =	ssyncset.done $0x0  }
0xa0: {  	[sflag:s22] =	ssyncadd.s32 s4;
	_ =	sdelay $0x1  }
0xa1: {  	s23 =	simm.s32 $0x1B8B  }
0xa2: {  	_ =	swait.ge [sflag:s23], $0x1  }
0xa3: {  	[sflag:s23] =	ssyncset.done $0x0  }
0xa4: {  	s25 =	simm.s32 $0x1B8E;
	s24 =	sld [smem:$0x3FFE];
	[sflag:s23] =	ssyncadd.s32 $0xFFFFFFFF  }
0xa5: {  	s26 =	simm.s32 $execute0_lowered;
	[smem:$0x3FD2] =	sst s25  }
0xa6: {  	s5 =	sshll.u32 s26, $0x1;
	_ =	strace $0x80000046;
	[dreg:$0x1] =	wrdreg $0xFFFFFFFF  }
0xa7: {  	s28 =	simm.s32 $_size_execute0_lowered;
	s3 =	sadd.s32 s3, s5;
	[dreg:$0x0] =	wrdreg $0x0  }
0xa8: {  	s5 =	sshll.u32 s28, $0x1;
	[dreg:$0x2] =	wrdreg s3  }
0xa9: {  	[dreg:$0x3] =	wrdreg s5  }
0xaa: {  	[dreg:$0x4] =	wrdreg $0xC0  }
0xab: {  	_ =	task [dreg:s7], $0x5FFFF  }
0xac: {  	[dreg:$0x1] =	wrdreg $0xFFFFFFFF  }
0xad: {  	[dreg:$0x0] =	wrdreg $0x60  }
0xae: {  	[dreg:$0x2] =	wrdreg s24  }
0xaf: {  	[dreg:$0x3] =	wrdreg s2  }
0xb0: {  	[dreg:$0x4] =	wrdreg $0x2B00  }
0xb1: {  	[dreg:$0x5] =	wrdreg $0x9  }
0xb2: {  	_ =	task.clear_ibuf [dreg:s7], $0x6FFFF;
	_ =	strace $0x90000046  }
0xb3: {  	s29 =	simm.s32 $0x9;
	_ =	strace $0x80000048  }
0xb4: {  	_ =	swait.ge [sflag:s29], $0x1  }
0xb5: {  	[sflag:s29] =	ssyncadd.s32 $0xFFFFFFFF  }
0xb6: {  	_ =	strace $0x90000048  }
0xb7: {  	_ =	sfence  }
0xb8: {  	s30 =	sld [smem:$0x0];
	_ =	sdelay $0x2  }
0xb9: {  	s31 =	sshll.u32 s1, $0xD;
	s1 =	sshrl.u32 s1, $0x2  }
0xba: {  	s3 =	sand.u32 $0x4000, s31;
	s1 =	sadd.s32 s1, s30  }
0xbb: {  	s0 =	sor.u32 s3, s0;
	s1 =	sshll.u32 s1, $0x11  }
0xbc: {  	s0 =	sor.u32 s1, s0  }
0xbd: {  	s0 =	sadd.s32 $0x8F2B, s0  }
0xbe: {  	[sflag:s0] =	ssyncadd.remote.s32 $0x1  }
0xbf: {  	_ =	sfence.sel $0xFFFF  }
0xc0: {  	[dreg:$0x0] =	wrdreg $0xFFFFFFFF;
	(pc) =	sbr.abs _section_cstart, $3  }
0xc1: {  	[dreg:$0x1] =	wrdreg $0xFFFFFFFF  }
0xc2: {  	_ =	task.clear_ibuf [dreg:s7], $0x2FFFF;
	_ =	strace $0x9FFFFFFF  }
0xc3: {  	(tm) =	ssettm $0x7FFFFFFF  }
tec
execute0_lowered:
.L_overlay_start_1:
0x0: {  	(tag) =	ssettag $0x1  }
0x1: {  	s5 =	rddreg [dreg:$0x0]  }
0x2: {  	s1 =	rddreg [dreg:$0x1]  }
0x3: {  	s2 =	rddreg [dreg:$0x2]  }
0x4: {  	s3 =	srdreg.scid;
	s0 =	rddreg [dreg:$0x3]  }
0x5: {  	s4 =	simm.s32 $0x0;
	s11 =	simm.s32 $0x80;
	s13 =	simm.s32 $0xA0  }
0x6: {  	s9 =	sand.u32 $0x1, s3;
	[smem:$0x7FF] =	sst s4;
	s3 =	stileid.u32  }
0x7: {  	s6 =	ssub.s32 $0x2, s9;
	_ =	strace $0x80000047;
	s7 =	sshll.u32 s3, $0x3  }
.Ltmp0:
0x8: {  	s10 =	sshll.u32 s3, $0x5;
	s12 =	sor.u32 s3, s9;
	(pc) =	sbr.rel .LBB2_1-.Ltmp0, $4  }
0x9: {  	v0 =	vlaneseq.u32;
	p0 =	sne.s32 s9, $0x0;
	s9 =	simm.s32 $0x1;
	s8 =	sshrl.u32 s6, $0x1  }
0xa: {  	v4 =	vmul.u32 $0xFFFFFFFF, v0;
	s7 =	sadd.s32 s7, s5;
	p1 =	sne.s32 s12, $0x0;
	s12 =	simm.s32 $0xB0  }
0xb: {  	vm0 =	vcmask $0x3F0C;
	v5 =	vimm.s32 $0x0;
	v1 =	vor.u32 $0x10, v0;
	s8 =	ssub.s32 s6, s8;
	s5 =	sadd.s32 $0xA00, s7;
	s6 =	sadd.s32 $0xC00, s7  }
0xc: {  	v2 =	vor.u32 $0x20, v0;
	v3 =	vor.u32 $0x30, v0;
	v4 =	vadd.s32 $0xF, v4;
	s7 =	sadd.s32 s10, s2;
	s10 =	simm.s32 $0x40;
	s8 =	smax.u32 s8, $0x1  }
.LBB2_3:
.Ltmp1:
0xd: {  	(pc) =	sbr.rel @!p1 .LBB2_4-.Ltmp1, $2  }
0xe: {  	_ =	sdelay $0x1  }
0xf: {  	[bflag:$0x0] =	sbarrier.arrive $0xFFFF;
	_ =	sdelay $0x1  }
.LBB2_5:
0x10: {  	s8 =	sadd.s32 $0xFFFFFFFF, s8  }
0x11: {  	p2 =	sne.s32 s8, $0x0  }
.Ltmp2:
0x12: {  	_ = 	snop;
	(pc) =	sbr.rel @!p2 .LBB2_6-.Ltmp2, $1  }
0x13: {  	_ =	sdelay $0x3  }
.LBB2_1:
.Ltmp3:
0x14: {  	(pc) =	sbr.rel @p0 .LBB2_3-.Ltmp3, $1  }
0x15: {  	_ =	sdelay $0x3  }
0x16: {  	[tilespmem:s4], [sflag:$0x1] =	stream.linear.gather [hbm4b:s5+s4], $0x40, $0x38;
	[tilespmem:$0x2D0] =	vst v63  }
0x17: {  	_ =	swait.ge [sflag:s9], $0x40  }
0x18: {  	[sflag:s9] =	ssyncset.done $0x0  }
0x19: {  	[sflag:s9] =	ssyncadd.s32 $0xFFFFFFC0  }
0x1a: {  	[tilespmem:s10], [sflag:$0x1] =	stream.linear.gather [hbm4b:s6+s4], $0x40, $0x38;
	[tilespmem:$0x2D0] =	vst v63  }
0x1b: {  	_ =	swait.ge [sflag:s9], $0x40  }
0x1c: {  	[sflag:s9] =	ssyncset.done $0x0  }
0x1d: {  	[sflag:s9] =	ssyncadd.s32 $0xFFFFFFC0  }
0x1e: {  	v6 =	vld [tilespmem:$0x40]  }
0x1f: {  	v10 =	vld [tilespmem:$0x50]  }
0x20: {  	v11 =	vld [tilespmem:$0x60]  }
0x21: {  	v12 =	vld [tilespmem:$0x70]  }
0x22: {  	v9 =	vld [tilespmem:$0x0]  }
0x23: {  	v8 =	vld [tilespmem:$0x10];
	(xrf0) =	vadd.scan.msk.s32 $0xffff, v6  }
0x24: {  	v7 =	vld [tilespmem:$0x20];
	(xrf0) =	vadd.scan.msk.s32 $0xffff, v10  }
0x25: {  	v6 =	vld [tilespmem:$0x30];
	(xrf0) =	vadd.scan.msk.s32 $0xffff, v11  }
0x26: {  	(xrf0) =	vadd.scan.msk.s32 $0xffff, v12  }
0x27: {  	(xrf0) =	vmax.scan.msk.f32 $0xffff, v9  }
0x28: {  	(xrf0) =	vmax.scan.msk.f32 $0xffff, v8  }
0x29: {  	v15, _, _ =	vpop (xrf0);
	(xrf0) =	vmax.scan.msk.f32 $0xffff, v7  }
0x2a: {  	(v2sf) =	vpush v15, $0xF;
	v16, _, _ =	vpop (xrf0);
	(xrf0) =	vmax.scan.msk.f32 $0xffff, v6  }
0x2b: {  	v11, _, _ =	vpop (xrf0);
	(v2sf) =	vpush v16, $0xF  }
0x2c: {  	v17, _, _ =	vpop (xrf0);
	(v2sf) =	vpush v11, $0xF  }
0x2d: {  	v18, _, _ =	vpop (xrf0);
	(v2sf) =	vpush v17, $0xF  }
0x2e: {  	v19, _, _ =	vpop (xrf0);
	(v2sf) =	vpush v18, $0xF  }
0x2f: {  	v20, _, _ =	vpop (xrf0);
	(v2sf) =	vpush v19, $0xF  }
0x30: {  	(v2sf) =	vpush v20, $0xF;
	v21, _, _ =	vpop (xrf0)  }
0x31: {  	(v2sf) =	vpush v21, $0xF;
	_ =	sdelay $0x7  }
0x32: {  	s15 =	spop (v2sf)  }
0x33: {  	s16 =	spop (v2sf)  }
0x34: {  	s17 =	spop (v2sf)  }
0x35: {  	s18 =	spop (v2sf)  }
0x36: {  	s14 =	spop (v2sf)  }
0x37: {  	s19 =	spop (v2sf)  }
0x38: {  	s14 =	smax.f32 s14, s19;
	s26 =	spop (v2sf)  }
0x39: {  	s14 =	smax.f32 s14, s26;
	s28 =	spop (v2sf)  }
0x3a: {  	s14 =	smax.f32 s14, s28  }
0x3b: {  	v22 =	vmov s14  }
0x3c: {  	v23 =	vsub.f32 v9, v22  }
0x3d: {  	v24 =	vsub.f32 v8, v22  }
0x3e: {  	v13 =	vsub.f32 v7, v22;
	v11 =	vmul.f32 $1.442695020e+00, v23  }
0x3f: {  	v10 =	vsub.f32 v6, v22;
	v12 =	vmul.f32 $1.442695020e+00, v24  }
0x40: {  	v25 =	vmul.f32 $1.442695020e+00, v13;
	(erf) = vpow2.f32 v11  }
0x41: {  	v10 =	vmul.f32 $1.442695020e+00, v10;
	(erf) = vpow2.f32 v12  }
0x42: {  	(erf) = vpow2.f32 v25  }
0x43: {  	(erf) = vpow2.f32 v10;
	_ =	sdelay $0x4  }
0x44: {  	s15 =	sadd.s32 s15, s16  }
0x45: {  	s15 =	sadd.s32 s17, s15;
	v26 =	vpop (erf)  }
0x46: {  	s15 =	sadd.s32 s18, s15;
	v27 =	vpop (erf)  }
0x47: {  	v28 =	vmov s15;
	v29 =	vpop (erf)  }
0x48: {  	vm1 =	vgt.s32 v28, v3;
	v14 =	vpop (erf)  }
0x49: {  	v14 =	vnsel vm1, $0x0, v14  }
0x4a: {  	vm2 =	vgt.s32 v28, v2;
	v15 =	vperm.xlane v14, v4  }
0x4b: {  	v13 =	vnsel vm2, $0x0, v29  }
0x4c: {  	vm3 =	vgt.s32 v28, v1;
	v30 =	vperm.xlane v13, v4;
	(xrf2) =	vadd.scan.msk.f32 $0xffff, v15  }
0x4d: {  	v11 =	vnsel vm3, $0x0, v27;
	(xrf2) =	vadd.scan.msk.f32 $0xffff, v14  }
0x4e: {  	v31 =	vperm.xlane v11, v4;
	(xrf2) =	vadd.scan.msk.f32 $0xffff, v30  }
0x4f: {  	(xrf2) =	vadd.scan.msk.f32 $0xffff, v13  }
0x50: {  	(xrf2) =	vadd.scan.msk.f32 $0xffff, v31  }
0x51: {  	(xrf2) =	vadd.scan.msk.f32 $0xffff, v11;
	_ =	sdelay $0x4  }
0x52: {  	v32, _, _ =	vpop (xrf2)  }
0x53: {  	v33, _, _ =	vpop (xrf2)  }
0x54: {  	v34, _, _ =	vpop (xrf2);
	(v2sf) =	vpush v33, $0xF  }
0x55: {  	v35, _, _ =	vpop (xrf2)  }
0x56: {  	v36, _, _ =	vpop (xrf2);
	(v2sf) =	vpush v35, $0xF  }
0x57: {  	v37, _, _ =	vpop (xrf2)  }
0x58: {  	(v2sf) =	vpush v37, $0xF  }
0x59: {  	vm4 =	vgt.s32 v28, v0  }
0x5a: {  	v10 =	vnsel vm4, $0x0, v26  }
0x5b: {  	v10 =	vperm.xlane v10, v4;
	_ =	sdelay $0x1  }
0x5c: {  	(xrf2) =	vadd.scan.msk.f32 $0xffff, v10;
	_ =	sdelay $0x5  }
0x5d: {  	s29 =	spop (v2sf)  }
0x5e: {  	s16 =	sadd.f32 $0.0e+00, s29  }
0x5f: {  	s30 =	spop (v2sf)  }
0x60: {  	s17 =	sadd.f32 s16, s30  }
0x61: {  	v10, _, _ =	vpop (xrf2);
	s31 =	spop (v2sf)  }
0x62: {  	v10 =	vperm.xlane v10, v4;
	s18 =	sadd.f32 s17, s31;
	_ =	sdelay $0x1  }
0x63: {  	v38 =	vperm.xlane v36, v4;
	v10 =	vadd.f32 s18, v10;
	_ =	sdelay $0x1  }
0x64: {  	v12 =	vadd.f32 s17, v38;
	v39 =	vand.u32 $0x7FFFFF, v10  }
0x65: {  	v13 =	vor.u32 $0x3F800000, v39  }
0x66: {  	v40 =	vand.u32 $0x7FFFFF, v12;
	v16 =	vmul.f32 $5.000000000e-01, v13  }
0x67: {  	v14 =	vperm.xlane v34, v4;
	v15 =	vor.u32 $0x3F800000, v40;
	vm6 =	vgt.f32 v13, $1.414213540e+00  }
0x68: {  	v11 =	vperm.xlane v32, v4;
	v17 =	vmul.f32 $5.000000000e-01, v15;
	v13 =	vsel vm6, v16, v13  }
0x69: {  	v14 =	vadd.f32 s16, v14;
	vm7 =	vgt.f32 v15, $1.414213540e+00;
	v16 =	vadd.f32 $1.000000000e+00, v13  }
0x6a: {  	v11 =	vadd.f32 $0.0e+00, v11;
	v15 =	vsel vm7, v17, v15  }
0x6b: {  	v41 =	vand.u32 $0x7FFFFF, v14;
	v17 =	vadd.f32 $1.000000000e+00, v15;
	(erf) = vrcp.f32 v16  }
0x6c: {  	v16 =	vor.u32 $0x3F800000, v41  }
0x6d: {  	v18 =	vand.u32 $0x7FFFFF, v11;
	(erf) = vrcp.f32 v17;
	v42 =	vmul.f32 $5.000000000e-01, v16  }
0x6e: {  	v43 =	vor.u32 $0x3F800000, v18;
	vm8 =	vgt.f32 v16, $1.414213540e+00  }
0x6f: {  	v19 =	vmul.f32 $5.000000000e-01, v43;
	v16 =	vsel vm8, v42, v16  }
0x70: {  	vm5 =	vgt.f32 v43, $1.414213540e+00;
	v44 =	vadd.f32 $1.000000000e+00, v16  }
0x71: {  	v17 =	vsel vm5, v19, v43  }
0x72: {  	v19 =	vadd.f32 $1.000000000e+00, v17;
	(erf) = vrcp.f32 v44  }
0x73: {  	v13 =	vadd.f32 $-1.000000000e+00, v13  }
0x74: {  	v45 =	vpop (erf);
	(erf) = vrcp.f32 v19  }
0x75: {  	v15 =	vadd.f32 $-1.000000000e+00, v15;
	v13 =	vmul.f32 v45, v13  }
0x76: {  	v46 =	vpop (erf)  }
0x77: {  	v15 =	vmul.f32 v46, v15;
	v47 =	vmul.f32 v13, v13  }
0x78: {  	v11 =	vshra.s32 v11, $0x17;
	v58 =	vsel vm5, $0x1, v5  }
0x79: {  	v11 =	vadd.s32 v58, v11;
	v48 =	vmul.f32 v15, v15;
	v20 =	vmul.f32 $2.857142980e-01, v47  }
0x7a: {  	v11 =	vadd.s32 $0xFFFFFF81, v11;
	v16 =	vadd.f32 $-1.000000000e+00, v16  }
0x7b: {  	v14 =	vshra.s32 v14, $0x17;
	v21 =	vmul.f32 $2.857142980e-01, v48;
	v22 =	vpop (erf);
	v20 =	vadd.f32 $4.000000060e-01, v20  }
0x7c: {  	v12 =	vshra.s32 v12, $0x17;
	v17 =	vadd.f32 $-1.000000000e+00, v17;
	v16 =	vmul.f32 v22, v16  }
0x7d: {  	v10 =	vshra.s32 v10, $0x17;
	v21 =	vadd.f32 $4.000000060e-01, v21;
	v20 =	vmul.f32 v20, v47;
	v26 =	vpop (erf)  }
0x7e: {  	v49 =	vsel vm7, $0x1, v5;
	v25 =	vmul.f32 v16, v16;
	v17 =	vmul.f32 v26, v17  }
0x7f: {  	v12 =	vadd.s32 v49, v12;
	v23 =	vsel vm6, $0x1, v5;
	v21 =	vmul.f32 v21, v48  }
0x80: {  	v20 =	vadd.f32 $6.666666860e-01, v20;
	v50 =	vmul.f32 $2.857142980e-01, v25;
	v51 =	vmul.f32 v17, v17  }
0x81: {  	v12 =	vadd.s32 $0xFFFFFF81, v12;
	v10 =	vadd.s32 v23, v10;
	v21 =	vadd.f32 $6.666666860e-01, v21  }
0x82: {  	v18 =	vmul.f32 v20, v47;
	v20 =	vadd.f32 $4.000000060e-01, v50;
	v52 =	vmul.f32 $2.857142980e-01, v51  }
0x83: {  	v12 =	vcvt.s32.f32 v12;
	v10 =	vadd.s32 $0xFFFFFF81, v10;
	v19 =	vmul.f32 v21, v48  }
0x84: {  	v18 =	vadd.f32 $2.000000000e+00, v18;
	v20 =	vmul.f32 v20, v25;
	v53 =	vadd.f32 $4.000000060e-01, v52  }
0x85: {  	v10 =	vcvt.s32.f32 v10;
	v12 =	vmul.f32 $6.931471820e-01, v12;
	v19 =	vadd.f32 $2.000000000e+00, v19  }
0x86: {  	v13 =	vmul.f32 v18, v13;
	v54 =	vadd.f32 $6.666666860e-01, v20;
	v18 =	vmul.f32 v53, v51  }
0x87: {  	v10 =	vmul.f32 $6.931471820e-01, v10;
	v24 =	vsel vm8, $0x1, v5;
	v15 =	vmul.f32 v19, v15  }
0x88: {  	v55 =	vadd.s32 v24, v14;
	v56 =	vmul.f32 v54, v25;
	v57 =	vadd.f32 $6.666666860e-01, v18  }
0x89: {  	v10 =	vadd.f32 v13, v10;
	v13 =	vadd.s32 $0xFFFFFF81, v55;
	v12 =	vadd.f32 v15, v12  }
0x8a: {  	v13 =	vcvt.s32.f32 v13;
	v14 =	vadd.f32 $2.000000000e+00, v56;
	v15 =	vmul.f32 v57, v51  }
0x8b: {  	v11 =	vcvt.s32.f32 v11;
	v10 =	vadd.f32 s14, v10  }
0x8c: {  	v13 =	vmul.f32 $6.931471820e-01, v13;
	v14 =	vmul.f32 v14, v16;
	v15 =	vadd.f32 $2.000000000e+00, v15  }
0x8d: {  	v59 =	vadd.f32 s14, v12;
	v9 =	vsub.f32 v10, v9  }
0x8e: {  	v11 =	vmul.f32 $6.931471820e-01, v11;
	v60 =	vadd.f32 v14, v13;
	v61 =	vmul.f32 v15, v17  }
0x8f: {  	v8 =	vsub.f32 v59, v8;
	v9 =	vadd.f32 $0.0e+00, v9  }
0x90: {  	v62 =	vadd.f32 s14, v60;
	v11 =	vadd.f32 v61, v11  }
0x91: {  	vm4 =	vmand vm4, vm0;
	v8 =	vnsel vm3, $0x0, v8  }
0x92: {  	v9 =	vnsel vm4, $0x0, v9;
	v7 =	vsub.f32 v62, v7;
	v63 =	vadd.f32 s14, v11;
	s14 =	sadd.s32 $0xFFFFFFFD, s15  }
0x93: {  	v8 =	vadd.f32 v9, v8;
	p2 =	sgt.s32 s14, $0x0  }
0x94: {  	v7 =	vnsel vm2, $0x0, v7;
	v6 =	vsub.f32 v63, v6;
	s14 =	simm.s32 @!p2 $0x0  }
0x95: {  	v7 =	vadd.f32 v8, v7;
	s14 =	scvt.s32.f32 s14  }
0x96: {  	v6 =	vnsel vm1, $0x0, v6  }
0x97: {  	v6 =	vadd.f32 v7, v6;
	s14 =	smul.f32 $6.250000000e-02, s14;
	_ =	sdelay $0x1  }
0x98: {  	[tilespmem:$0x80] =	vst v6;
	v6 =	vmov s14  }
.Ltmp4:
0x99: {  	[tilespmem:$0x90] =	vst v6;
	(pc) =	sbr.rel .LBB2_3-.Ltmp4, $4  }
0x9a: {  	[spmem:s7] =	stream.linear.scatter [tilespmem:s11], [sflag:$0x1], $0x20, $0x38;
	[tilespmem:$0x2D0] =	vst v63  }
0x9b: {  	_ =	swait.ge [sflag:s9], $0x20  }
0x9c: {  	[sflag:s9] =	ssyncset.done $0x0  }
0x9d: {  	[sflag:s9] =	ssyncadd.s32 $0xFFFFFFE0  }
.LBB2_4:
0x9e: {  	[tilespmem:s12], [sflag:$0x1] =	stream.linear.gather [spmem:s2], $0x200, $0x38;
	[tilespmem:$0x2D0] =	vst v63  }
0x9f: {  	_ =	swait.ge [sflag:s9], $0x200  }
0xa0: {  	[sflag:s9] =	ssyncset.done $0x0  }
0xa1: {  	[sflag:s9] =	ssyncadd.s32 $0xFFFFFE00  }
0xa2: {  	v6 =	vld [tilespmem:$0xB0]  }
0xa3: {  	v7 =	vld [tilespmem:$0xC0]  }
0xa4: {  	v8 =	vld [tilespmem:$0xD0]  }
0xa5: {  	v9 =	vld [tilespmem:$0xE0]  }
0xa6: {  	v10 =	vld [tilespmem:$0xF0]  }
0xa7: {  	v11 =	vld [tilespmem:$0x100];
	v6 =	vadd.f32 $0.0e+00, v6  }
0xa8: {  	v12 =	vld [tilespmem:$0x110];
	v7 =	vadd.f32 $0.0e+00, v7  }
0xa9: {  	v39 =	vld [tilespmem:$0x120];
	v6 =	vadd.f32 v8, v6  }
0xaa: {  	v40 =	vld [tilespmem:$0x130];
	v7 =	vadd.f32 v9, v7  }
0xab: {  	v41 =	vld [tilespmem:$0x140];
	v6 =	vadd.f32 v10, v6  }
0xac: {  	v42 =	vld [tilespmem:$0x150];
	v7 =	vadd.f32 v11, v7  }
0xad: {  	v43 =	vld [tilespmem:$0x160];
	v6 =	vadd.f32 v12, v6  }
0xae: {  	v44 =	vld [tilespmem:$0x170];
	v7 =	vadd.f32 v39, v7  }
0xaf: {  	v45 =	vld [tilespmem:$0x180];
	v6 =	vadd.f32 v40, v6  }
0xb0: {  	v46 =	vld [tilespmem:$0x190];
	v7 =	vadd.f32 v41, v7  }
0xb1: {  	v47 =	vld [tilespmem:$0x1A0];
	v6 =	vadd.f32 v42, v6  }
0xb2: {  	v48 =	vld [tilespmem:$0x1B0];
	v7 =	vadd.f32 v43, v7  }
0xb3: {  	v49 =	vld [tilespmem:$0x1C0];
	v6 =	vadd.f32 v44, v6  }
0xb4: {  	v50 =	vld [tilespmem:$0x1D0];
	v7 =	vadd.f32 v45, v7  }
0xb5: {  	v51 =	vld [tilespmem:$0x1E0];
	v6 =	vadd.f32 v46, v6  }
0xb6: {  	v52 =	vld [tilespmem:$0x1F0];
	v7 =	vadd.f32 v47, v7  }
0xb7: {  	v53 =	vld [tilespmem:$0x200];
	v6 =	vadd.f32 v48, v6  }
0xb8: {  	v54 =	vld [tilespmem:$0x210];
	v7 =	vadd.f32 v49, v7  }
0xb9: {  	v55 =	vld [tilespmem:$0x220];
	v6 =	vadd.f32 v50, v6  }
0xba: {  	v56 =	vld [tilespmem:$0x230];
	v7 =	vadd.f32 v51, v7  }
0xbb: {  	v57 =	vld [tilespmem:$0x240];
	v6 =	vadd.f32 v52, v6  }
0xbc: {  	v58 =	vld [tilespmem:$0x250];
	v7 =	vadd.f32 v53, v7  }
0xbd: {  	v59 =	vld [tilespmem:$0x260];
	v6 =	vadd.f32 v54, v6  }
0xbe: {  	v60 =	vld [tilespmem:$0x270];
	v7 =	vadd.f32 v55, v7  }
0xbf: {  	v61 =	vld [tilespmem:$0x280];
	v6 =	vadd.f32 v56, v6  }
0xc0: {  	v62 =	vld [tilespmem:$0x290];
	v7 =	vadd.f32 v57, v7  }
0xc1: {  	v63 =	vld [tilespmem:$0x2A0];
	v6 =	vadd.f32 v58, v6  }
0xc2: {  	v7 =	vadd.f32 v59, v7  }
0xc3: {  	v6 =	vadd.f32 v60, v6  }
0xc4: {  	v7 =	vadd.f32 v61, v7  }
0xc5: {  	v6 =	vadd.f32 v62, v6  }
0xc6: {  	v7 =	vadd.f32 v63, v7  }
0xc7: {  	(xrf2) =	vadd.scan.msk.f32 $0xffff, v6  }
0xc8: {  	(xrf2) =	vadd.scan.msk.f32 $0xffff, v7;
	_ =	sdelay $0x8  }
0xc9: {  	v6, _, _ =	vpop (xrf2)  }
0xca: {  	v7, _, _ =	vpop (xrf2)  }
0xcb: {  	v7 =	vbroadcast v7, $0xF;
	_ =	sdelay $0x1  }
0xcc: {  	(erf) = vrcp.f32 v7;
	_ =	sdelay $0x7  }
0xcd: {  	v6 =	vbroadcast v6, $0xF  }
0xce: {  	v7 =	vpop (erf)  }
0xcf: {  	v6 =	vmul.f32 v7, v6;
	_ =	sdelay $0x1  }
.Ltmp5:
0xd0: {  	[tilespmem:$0xA0] =	vst v6;
	(pc) =	sbr.rel .LBB2_5-.Ltmp5, $4  }
0xd1: {  	[hbm4b:s1+s4] =	stream.linear.scatter [tilespmem:s13], [sflag:$0x1], $0x10, $0x38;
	[tilespmem:$0x2D0] =	vst v63  }
0xd2: {  	_ =	swait.ge [sflag:s9], $0x10  }
0xd3: {  	[sflag:s9] =	ssyncset.done $0x0  }
0xd4: {  	[sflag:s9] =	ssyncadd.s32 $0xFFFFFFF0  }
.LBB2_6:
0xd5: {  	_ =	sfence.sel $0x180000  }
0xd6: {  	[bflag:$0x0] =	sbarrier.arrive $0xFFFF  }
0xd7: {  	p0 =	sne.s32 s3, $0x0;
	_ =	strace $0x90000047  }
0xd8: {  	s0 =	sadd.s32 @!p0 $0x100000, s0;
	[bflag:$0x2] =	sbarrier.arrive $0xFFFF  }
0xd9: {  	[sflag:s0] =	ssyncadd.tile.s32 @!p0 $0x1;
	_ =	shalt  }
.Lfunc_end2:
_tile_overlayer_lowered:
.L_overlay_start_2:
0xda: {  	(tag) =	ssettag $0x2  }
0xdb: {  	s0 =	rddreg [dreg:$0x0];
	s2 =	stileid.u32  }
0xdc: {  	s1 =	rddreg [dreg:$0x1];
	p0 =	sne.s32 s2, $0x0  }
0xdd: {  	s3 =	rddreg [dreg:$0x2];
	[bflag:$0x3] =	sbarrier.arrive $0xFFFF;
	s2 =	simm.s32 @!p0 $0x1C01  }
0xde: {  	[timem:s3], [sflag:s2] =	dma.local @!p0 [hbm:s0], s1  }
0xdf: {  	s0 =	simm.s32 @!p0 $0x1  }
0xe0: {  	_ =	swait.ge @!p0 [sflag:s0], s1  }
0xe1: {  	s1 =	ssub.s32 @!p0 $0x0, s1;
	[sflag:s0] =	ssyncset.done @!p0 $0x0  }
0xe2: {  	[sflag:s0] =	ssyncadd.s32 @!p0 s1  }
0xe3: {  	[bflag:$0x3] =	sbarrier.arrive $0xFFFF  }
0xe4: {  	_ =	shalt  }

</sc_bundles>
